<compile_context>
chip_gen: v7x
topology: tpu7x:2x2x1
jax: 0.10.2.dev20260603
libtpu: 0.0.44.dev20260713+nightly
codegen_flags: <defaults>
</compile_context>

<pallas_src>
import functools

import jax
import jax.numpy as jnp
from jax import lax
from jax.experimental import pallas as pl
from jax.experimental.pallas import tpu as pltpu
from jax.experimental.pallas import tpu_sc as plsc

VOCAB = 65024
DIM = 1024
BATCH = 4
SEQ = 8192

_INFO = plsc.get_sparse_core_info()
_NC = _INFO.num_cores
_NS = _INFO.num_subcores
_NW = _NC * _NS
_B = BATCH * SEQ
_BPW = _B // _NW
_WPB = SEQ // _BPW
_C = 32
_NCH = _BPW // _C


def _body(idx_hbm, table_hbm, out_hbm, idx_v,
          buf0, buf1, buf2, gs0, gs1, gs2, ws0, ws1, ws2):
    wid = lax.axis_index("s") * _NC + lax.axis_index("c")
    row = wid // _WPB
    col = (wid % _WPB) * _BPW
    bufs = (buf0, buf1, buf2)
    gsems = (gs0, gs1, gs2)
    wsems = (ws0, ws1, ws2)

    pltpu.sync_copy(idx_hbm.at[row, pl.ds(col, _BPW)], idx_v)

    def gather_start(ci, b):
        pltpu.async_copy(
            table_hbm.at[idx_v.at[pl.ds(ci * _C, _C)]], bufs[b], gsems[b])

    def gather_wait(ci, b):
        pltpu.make_async_copy(
            table_hbm.at[idx_v.at[pl.ds(ci * _C, _C)]], bufs[b], gsems[b]).wait()

    def write_start(ci, b):
        pltpu.async_copy(
            bufs[b], out_hbm.at[row, pl.ds(col + ci * _C, _C)], wsems[b])

    def write_wait(ci, b):
        pltpu.make_async_copy(
            bufs[b], out_hbm.at[row, pl.ds(col + ci * _C, _C)], wsems[b]).wait()

    gather_start(0, 0)
    gather_start(1, 1)
    gather_start(2, 2)

    def round_(g, carry):
        c = g * 3
        gather_wait(c, 0)
        write_start(c, 0)
        gather_wait(c + 1, 1)
        write_start(c + 1, 1)
        write_wait(c, 0)
        gather_start(c + 3, 0)
        gather_wait(c + 2, 2)
        write_start(c + 2, 2)
        write_wait(c + 1, 1)
        gather_start(c + 4, 1)
        write_wait(c + 2, 2)
        gather_start(c + 5, 2)
        return carry

    lax.fori_loop(0, (_NCH - 5) // 3, round_, 0)
    c = _NCH - 5
    gather_wait(c, 0)
    write_start(c, 0)
    gather_wait(c + 1, 1)
    write_start(c + 1, 1)
    write_wait(c, 0)
    gather_start(c + 3, 0)
    gather_wait(c + 2, 2)
    write_start(c + 2, 2)
    write_wait(c + 1, 1)
    gather_start(c + 4, 1)
    gather_wait(c + 3, 0)
    write_start(c + 3, 0)
    gather_wait(c + 4, 1)
    write_start(c + 4, 1)
    write_wait(c + 2, 2)
    write_wait(c + 3, 0)
    write_wait(c + 4, 1)


@jax.jit
def _embed(ids, table):
    run = functools.partial(
        pl.kernel,
        out_type=jax.ShapeDtypeStruct((BATCH, SEQ, DIM), jnp.float32),
        mesh=plsc.VectorSubcoreMesh(core_axis_name="c", subcore_axis_name="s"),
        scratch_types=(
            [pltpu.VMEM((_BPW,), jnp.int32)]
            + [pltpu.VMEM((_C, DIM), jnp.float32)] * 3
            + [pltpu.SemaphoreType.DMA] * 6
        ),
    )(_body)
    return run(ids, table)


def kernel(input_ids, embed_table):
    if input_ids.dtype != jnp.int32:
        input_ids = input_ids.astype(jnp.int32)
    return _embed(input_ids, embed_table)

# --- scband reference (transcript-rebuilt; emitter-appended) ---
"""Pipeline reference for scband-chat-glmembedding-15874199126048 (READ-ONLY COPY).

The authoritative reference and input builder live on the scoring server;
editing this copy changes nothing except your own understanding.
"""

import jax, jax.numpy as jnp
import numpy as np

VOCAB = 65024
DIM = 1024
BATCH = 4
SEQ = 8192

def setup_inputs(seed: int = 0) -> dict:
    key = jax.random.key(seed)
    k1, k2 = jax.random.split(key)
    input_ids = jax.random.randint(k1, (BATCH, SEQ), 0, VOCAB, dtype=jnp.int64 if jax.config.jax_enable_x64 else jnp.int32)
    embed_table = jax.random.normal(k2, (VOCAB, DIM), dtype=jnp.float32) * 0.02
    # pad_token_id_ = 0: zero that row as nn.Embedding(padding_idx=0) initializes it to zero
    embed_table = embed_table.at[0].set(0.0)
    return {"input_ids": input_ids, "embed_table": embed_table}

def reference(input_ids, embed_table):
    # nn.Embedding lookup: gather rows of the table
    words_embeddings = jnp.take(embed_table, input_ids, axis=0)
    embeddings = words_embeddings
    # fp32_residual_connection is False -> no cast
    return embeddings

if __name__ == "__main__":
    import jax
    _d = setup_inputs()
    print(jax.jit(kernel)(*tuple(_d.values())))

</pallas_src>

<mosaic_0001>
#map = affine_map<(d0, d1) -> (0, 0)>
#map1 = affine_map<(d0, d1) -> (0, 0, 0)>
module attributes {stable_mosaic.version = 14 : i64} {
  func.func @_body(%arg0: i32, %arg1: i32, %arg2: memref<4x8192xi32, #tpu.memory_space<hbm>>, %arg3: memref<65024x1024xf32, #tpu.memory_space<hbm>>, %arg4: memref<4x8192x1024xf32, #tpu.memory_space<hbm>>, %arg5: memref<1024xi32, #tpu.memory_space<vmem>>, %arg6: memref<32x1024xf32, #tpu.memory_space<vmem>>, %arg7: memref<32x1024xf32, #tpu.memory_space<vmem>>, %arg8: memref<32x1024xf32, #tpu.memory_space<vmem>>, %arg9: memref<!tpu.dma_semaphore, #tpu.memory_space<semaphore_mem>>, %arg10: memref<!tpu.dma_semaphore, #tpu.memory_space<semaphore_mem>>, %arg11: memref<!tpu.dma_semaphore, #tpu.memory_space<semaphore_mem>>, %arg12: memref<!tpu.dma_semaphore, #tpu.memory_space<semaphore_mem>>, %arg13: memref<!tpu.dma_semaphore, #tpu.memory_space<semaphore_mem>>, %arg14: memref<!tpu.dma_semaphore, #tpu.memory_space<semaphore_mem>>) attributes {dimension_semantics = [#tpu.dimension_semantics<core_parallel>, #tpu.dimension_semantics<subcore_parallel>], iteration_bounds = array<i64: 2, 16>, scalar_prefetch = 0 : i64, scratch_operands = 10 : i64, tpu.core_type = #tpu.core_type<sc_vector_subcore>, window_params = [{transform_indices = #map}, {transform_indices = #map}, {transform_indices = #map1}]} {
    %mul3A = arith.constant 2 : i32
    %mul3A_0 = arith.muli %arg1, %mul3A : i32
    %add3A = arith.addi %mul3A_0, %arg0 : i32
    %jit3A = arith.constant 8 : i32
    %div3A = arith.divsi %add3A, %jit3A : i32
    %sign3A = arith.constant 0 : i32
    %sign3A_1 = arith.cmpi sgt, %add3A, %sign3A : i32
    %sign3A_2 = arith.extui %sign3A_1 : i1 to i32
    %sign3A_3 = arith.constant 0 : i32
    %sign3A_4 = arith.cmpi slt, %add3A, %sign3A_3 : i32
    %sign3A_5 = arith.extui %sign3A_4 : i1 to i32
    %sign3A_6 = arith.subi %sign3A_2, %sign3A_5 : i32
    %sign3A_7 = arith.constant 0 : i32
    %sign3A_8 = arith.cmpi sgt, %jit3A, %sign3A_7 : i32
    %sign3A_9 = arith.extui %sign3A_8 : i1 to i32
    %sign3A_10 = arith.constant 0 : i32
    %sign3A_11 = arith.cmpi slt, %jit3A, %sign3A_10 : i32
    %sign3A_12 = arith.extui %sign3A_11 : i1 to i32
    %sign3A_13 = arith.subi %sign3A_9, %sign3A_12 : i32
    %ne3A = arith.cmpi ne, %sign3A_6, %sign3A_13 : i32
    %rem3A = arith.remsi %add3A, %jit3A : i32
    %ne3A_14 = arith.constant 0 : i32
    %ne3A_15 = arith.cmpi ne, %rem3A, %ne3A_14 : i32
    %and3A = arith.andi %ne3A, %ne3A_15 : i1
    %sub3A = arith.constant 1 : i32
    %sub3A_16 = arith.subi %div3A, %sub3A : i32
    %select_n3A = arith.select %and3A, %sub3A_16, %div3A : i32
    %jit3A_17 = arith.constant 8 : i32
    %eq3A = arith.constant 0 : i32
    %eq3A_18 = arith.cmpi eq, %jit3A_17, %eq3A : i32
    %jit3A_19 = arith.constant 1 : i32
    %select_n3A_20 = arith.select %eq3A_18, %jit3A_19, %jit3A_17 : i32
    %rem3A_21 = arith.remsi %add3A, %select_n3A_20 : i32
    %ne3A_22 = arith.constant 0 : i32
    %ne3A_23 = arith.cmpi ne, %rem3A_21, %ne3A_22 : i32
    %lt3A = arith.constant 0 : i32
    %lt3A_24 = arith.cmpi slt, %rem3A_21, %lt3A : i32
    %lt3A_25 = arith.constant 0 : i32
    %lt3A_26 = arith.cmpi slt, %select_n3A_20, %lt3A_25 : i32
    %ne3A_27 = arith.xori %lt3A_24, %lt3A_26 : i1
    %and3A_28 = arith.andi %ne3A_27, %ne3A_23 : i1
    %add3A_29 = arith.addi %rem3A_21, %select_n3A_20 : i32
    %select_n3A_30 = arith.select %and3A_28, %add3A_29, %rem3A_21 : i32
    %mul3A_31 = arith.constant 1024 : i32
    %mul3A_32 = arith.muli %select_n3A_30, %mul3A_31 : i32
    "tpu.region"() ({
      %run_scoped3A = tpu.sem_alloc : memref<!tpu.dma_semaphore, #tpu.memory_space<semaphore_mem>>
      %dma_start3A_166 = tpu.memref_slice %arg2[%select_n3A, %mul3A_32] : memref<4x8192xi32, #tpu.memory_space<hbm>> -> memref<1x1024xi32, #tpu.memory_space<hbm>>
      %dma_start3A_167 = tpu.memref_squeeze %dma_start3A_166 : memref<1x1024xi32, #tpu.memory_space<hbm>> -> memref<1024xi32, #tpu.memory_space<hbm>>
      %dma_start3A_168 = tpu.memref_slice %arg2[%select_n3A, %mul3A_32] : memref<4x8192xi32, #tpu.memory_space<hbm>> -> memref<1x1024xi32, #tpu.memory_space<hbm>>
      %dma_start3A_169 = tpu.memref_squeeze %dma_start3A_168 : memref<1x1024xi32, #tpu.memory_space<hbm>> -> memref<1024xi32, #tpu.memory_space<hbm>>
      tpu.enqueue_dma source(%dma_start3A_169 : memref<1024xi32, #tpu.memory_space<hbm>>) target(%arg5 : memref<1024xi32, #tpu.memory_space<vmem>>) target_semaphore(%run_scoped3A : memref<!tpu.dma_semaphore, #tpu.memory_space<semaphore_mem>>)
      %dma_wait3A_170 = tpu.memref_slice %arg2[%select_n3A, %mul3A_32] : memref<4x8192xi32, #tpu.memory_space<hbm>> -> memref<1x1024xi32, #tpu.memory_space<hbm>>
      %dma_wait3A_171 = tpu.memref_squeeze %dma_wait3A_170 : memref<1x1024xi32, #tpu.memory_space<hbm>> -> memref<1024xi32, #tpu.memory_space<hbm>>
      %dma_wait3A_172 = tpu.memref_slice %arg2[%select_n3A, %mul3A_32] : memref<4x8192xi32, #tpu.memory_space<hbm>> -> memref<1x1024xi32, #tpu.memory_space<hbm>>
      %dma_wait3A_173 = tpu.memref_squeeze %dma_wait3A_172 : memref<1x1024xi32, #tpu.memory_space<hbm>> -> memref<1024xi32, #tpu.memory_space<hbm>>
      tpu.wait_dma2 semaphore(%run_scoped3A : memref<!tpu.dma_semaphore, #tpu.memory_space<semaphore_mem>>) src(%dma_wait3A_173 : memref<1024xi32, #tpu.memory_space<hbm>>) dst(%arg5 : memref<1024xi32, #tpu.memory_space<vmem>>)
      tpu.yield
    }) : () -> ()
    %dma_start3A = arith.constant 0 : i32
    %dma_start3A_33 = tpu.memref_slice %arg5[%dma_start3A] : memref<1024xi32, #tpu.memory_space<vmem>> -> memref<32xi32, #tpu.memory_space<vmem>>
    %dma_start3A_34 = arith.constant 0 : i32
    %dma_start3A_35 = arith.constant 0 : i32
    %dma_start3A_36 = tpu.memref_slice %arg3[%dma_start3A_34, %dma_start3A_35] : memref<65024x1024xf32, #tpu.memory_space<hbm>> -> memref<65024x1024xf32, #tpu.memory_space<hbm>>
    tpu.enqueue_indirect_dma source(%dma_start3A_36 : memref<65024x1024xf32, #tpu.memory_space<hbm>>) target(%arg6 : memref<32x1024xf32, #tpu.memory_space<vmem>>) offsets(%dma_start3A_33 : memref<32xi32, #tpu.memory_space<vmem>>) semaphore(%arg9 : memref<!tpu.dma_semaphore, #tpu.memory_space<semaphore_mem>>)
    %dma_start3A_37 = arith.constant 32 : i32
    %dma_start3A_38 = tpu.memref_slice %arg5[%dma_start3A_37] : memref<1024xi32, #tpu.memory_space<vmem>> -> memref<32xi32, #tpu.memory_space<vmem>>
    %dma_start3A_39 = arith.constant 0 : i32
    %dma_start3A_40 = arith.constant 0 : i32
    %dma_start3A_41 = tpu.memref_slice %arg3[%dma_start3A_39, %dma_start3A_40] : memref<65024x1024xf32, #tpu.memory_space<hbm>> -> memref<65024x1024xf32, #tpu.memory_space<hbm>>
    tpu.enqueue_indirect_dma source(%dma_start3A_41 : memref<65024x1024xf32, #tpu.memory_space<hbm>>) target(%arg7 : memref<32x1024xf32, #tpu.memory_space<vmem>>) offsets(%dma_start3A_38 : memref<32xi32, #tpu.memory_space<vmem>>) semaphore(%arg10 : memref<!tpu.dma_semaphore, #tpu.memory_space<semaphore_mem>>)
    %dma_start3A_42 = arith.constant 64 : i32
    %dma_start3A_43 = tpu.memref_slice %arg5[%dma_start3A_42] : memref<1024xi32, #tpu.memory_space<vmem>> -> memref<32xi32, #tpu.memory_space<vmem>>
    %dma_start3A_44 = arith.constant 0 : i32
    %dma_start3A_45 = arith.constant 0 : i32
    %dma_start3A_46 = tpu.memref_slice %arg3[%dma_start3A_44, %dma_start3A_45] : memref<65024x1024xf32, #tpu.memory_space<hbm>> -> memref<65024x1024xf32, #tpu.memory_space<hbm>>
    tpu.enqueue_indirect_dma source(%dma_start3A_46 : memref<65024x1024xf32, #tpu.memory_space<hbm>>) target(%arg8 : memref<32x1024xf32, #tpu.memory_space<vmem>>) offsets(%dma_start3A_43 : memref<32xi32, #tpu.memory_space<vmem>>) semaphore(%arg11 : memref<!tpu.dma_semaphore, #tpu.memory_space<semaphore_mem>>)
    %scan3A = arith.constant 0 : i32
    %scan3A_47 = arith.constant 0 : i32
    %scan3A_48 = arith.constant 9 : i32
    %scan3A_49 = arith.addi %scan3A_47, %scan3A_48 : i32
    %scan3A_50 = arith.constant 1 : i32
    scf.for %scan3A_166 = %scan3A_47 to %scan3A_49 step %scan3A_50  : i32 {
      %mul3A_167 = arith.constant 3 : i32
      %mul3A_168 = arith.muli %scan3A_166, %mul3A_167 : i32
      %mul3A_169 = arith.constant 32 : i32
      %mul3A_170 = arith.muli %mul3A_168, %mul3A_169 : i32
      %dma_wait3A_171 = tpu.memref_slice %arg5[%mul3A_170] : memref<1024xi32, #tpu.memory_space<vmem>> -> memref<32xi32, #tpu.memory_space<vmem>>
      %dma_wait3A_172 = arith.constant 0 : i32
      %dma_wait3A_173 = arith.constant 0 : i32
      %dma_wait3A_174 = tpu.memref_slice %arg3[%dma_wait3A_172, %dma_wait3A_173] : memref<65024x1024xf32, #tpu.memory_space<hbm>> -> memref<65024x1024xf32, #tpu.memory_space<hbm>>
      tpu.wait_indirect_dma semaphore(%arg9 : memref<!tpu.dma_semaphore, #tpu.memory_space<semaphore_mem>>) src(%dma_wait3A_174 : memref<65024x1024xf32, #tpu.memory_space<hbm>>) dst(%arg6 : memref<32x1024xf32, #tpu.memory_space<vmem>>)
      %mul3A_175 = arith.constant 32 : i32
      %mul3A_176 = arith.muli %mul3A_168, %mul3A_175 : i32
      %add3A_177 = arith.addi %mul3A_32, %mul3A_176 : i32
      %dma_start3A_178 = arith.constant 0 : i32
      %dma_start3A_179 = tpu.memref_slice %arg4[%select_n3A, %add3A_177, %dma_start3A_178] : memref<4x8192x1024xf32, #tpu.memory_space<hbm>> -> memref<1x32x1024xf32, #tpu.memory_space<hbm>>
      %dma_start3A_180 = tpu.memref_squeeze %dma_start3A_179 : memref<1x32x1024xf32, #tpu.memory_space<hbm>> -> memref<32x1024xf32, #tpu.memory_space<hbm>>
      %dma_start3A_181 = arith.constant 0 : i32
      %dma_start3A_182 = tpu.memref_slice %arg4[%select_n3A, %add3A_177, %dma_start3A_181] : memref<4x8192x1024xf32, #tpu.memory_space<hbm>> -> memref<1x32x1024xf32, #tpu.memory_space<hbm>>
      %dma_start3A_183 = tpu.memref_squeeze %dma_start3A_182 : memref<1x32x1024xf32, #tpu.memory_space<hbm>> -> memref<32x1024xf32, #tpu.memory_space<hbm>>
      tpu.enqueue_dma source(%arg6 : memref<32x1024xf32, #tpu.memory_space<vmem>>) target(%dma_start3A_183 : memref<32x1024xf32, #tpu.memory_space<hbm>>) target_semaphore(%arg12 : memref<!tpu.dma_semaphore, #tpu.memory_space<semaphore_mem>>)
      %add3A_184 = arith.constant 1 : i32
      %add3A_185 = arith.addi %mul3A_168, %add3A_184 : i32
      %mul3A_186 = arith.constant 32 : i32
      %mul3A_187 = arith.muli %add3A_185, %mul3A_186 : i32
      %dma_wait3A_188 = tpu.memref_slice %arg5[%mul3A_187] : memref<1024xi32, #tpu.memory_space<vmem>> -> memref<32xi32, #tpu.memory_space<vmem>>
      %dma_wait3A_189 = arith.constant 0 : i32
      %dma_wait3A_190 = arith.constant 0 : i32
      %dma_wait3A_191 = tpu.memref_slice %arg3[%dma_wait3A_189, %dma_wait3A_190] : memref<65024x1024xf32, #tpu.memory_space<hbm>> -> memref<65024x1024xf32, #tpu.memory_space<hbm>>
      tpu.wait_indirect_dma semaphore(%arg10 : memref<!tpu.dma_semaphore, #tpu.memory_space<semaphore_mem>>) src(%dma_wait3A_191 : memref<65024x1024xf32, #tpu.memory_space<hbm>>) dst(%arg7 : memref<32x1024xf32, #tpu.memory_space<vmem>>)
      %add3A_192 = arith.constant 1 : i32
      %add3A_193 = arith.addi %mul3A_168, %add3A_192 : i32
      %mul3A_194 = arith.constant 32 : i32
      %mul3A_195 = arith.muli %add3A_193, %mul3A_194 : i32
      %add3A_196 = arith.addi %mul3A_32, %mul3A_195 : i32
      %dma_start3A_197 = arith.constant 0 : i32
      %dma_start3A_198 = tpu.memref_slice %arg4[%select_n3A, %add3A_196, %dma_start3A_197] : memref<4x8192x1024xf32, #tpu.memory_space<hbm>> -> memref<1x32x1024xf32, #tpu.memory_space<hbm>>
      %dma_start3A_199 = tpu.memref_squeeze %dma_start3A_198 : memref<1x32x1024xf32, #tpu.memory_space<hbm>> -> memref<32x1024xf32, #tpu.memory_space<hbm>>
      %dma_start3A_200 = arith.constant 0 : i32
      %dma_start3A_201 = tpu.memref_slice %arg4[%select_n3A, %add3A_196, %dma_start3A_200] : memref<4x8192x1024xf32, #tpu.memory_space<hbm>> -> memref<1x32x1024xf32, #tpu.memory_space<hbm>>
      %dma_start3A_202 = tpu.memref_squeeze %dma_start3A_201 : memref<1x32x1024xf32, #tpu.memory_space<hbm>> -> memref<32x1024xf32, #tpu.memory_space<hbm>>
      tpu.enqueue_dma source(%arg7 : memref<32x1024xf32, #tpu.memory_space<vmem>>) target(%dma_start3A_202 : memref<32x1024xf32, #tpu.memory_space<hbm>>) target_semaphore(%arg13 : memref<!tpu.dma_semaphore, #tpu.memory_space<semaphore_mem>>)
      %mul3A_203 = arith.constant 32 : i32
      %mul3A_204 = arith.muli %mul3A_168, %mul3A_203 : i32
      %add3A_205 = arith.addi %mul3A_32, %mul3A_204 : i32
      %dma_wait3A_206 = arith.constant 0 : i32
      %dma_wait3A_207 = tpu.memref_slice %arg4[%select_n3A, %add3A_205, %dma_wait3A_206] : memref<4x8192x1024xf32, #tpu.memory_space<hbm>> -> memref<1x32x1024xf32, #tpu.memory_space<hbm>>
      %dma_wait3A_208 = tpu.memref_squeeze %dma_wait3A_207 : memref<1x32x1024xf32, #tpu.memory_space<hbm>> -> memref<32x1024xf32, #tpu.memory_space<hbm>>
      %dma_wait3A_209 = arith.constant 0 : i32
      %dma_wait3A_210 = tpu.memref_slice %arg4[%select_n3A, %add3A_205, %dma_wait3A_209] : memref<4x8192x1024xf32, #tpu.memory_space<hbm>> -> memref<1x32x1024xf32, #tpu.memory_space<hbm>>
      %dma_wait3A_211 = tpu.memref_squeeze %dma_wait3A_210 : memref<1x32x1024xf32, #tpu.memory_space<hbm>> -> memref<32x1024xf32, #tpu.memory_space<hbm>>
      tpu.wait_dma2 semaphore(%arg12 : memref<!tpu.dma_semaphore, #tpu.memory_space<semaphore_mem>>) src(%arg6 : memref<32x1024xf32, #tpu.memory_space<vmem>>) dst(%dma_wait3A_211 : memref<32x1024xf32, #tpu.memory_space<hbm>>)
      %add3A_212 = arith.constant 3 : i32
      %add3A_213 = arith.addi %mul3A_168, %add3A_212 : i32
      %mul3A_214 = arith.constant 32 : i32
      %mul3A_215 = arith.muli %add3A_213, %mul3A_214 : i32
      %dma_start3A_216 = tpu.memref_slice %arg5[%mul3A_215] : memref<1024xi32, #tpu.memory_space<vmem>> -> memref<32xi32, #tpu.memory_space<vmem>>
      %dma_start3A_217 = arith.constant 0 : i32
      %dma_start3A_218 = arith.constant 0 : i32
      %dma_start3A_219 = tpu.memref_slice %arg3[%dma_start3A_217, %dma_start3A_218] : memref<65024x1024xf32, #tpu.memory_space<hbm>> -> memref<65024x1024xf32, #tpu.memory_space<hbm>>
      tpu.enqueue_indirect_dma source(%dma_start3A_219 : memref<65024x1024xf32, #tpu.memory_space<hbm>>) target(%arg6 : memref<32x1024xf32, #tpu.memory_space<vmem>>) offsets(%dma_start3A_216 : memref<32xi32, #tpu.memory_space<vmem>>) semaphore(%arg9 : memref<!tpu.dma_semaphore, #tpu.memory_space<semaphore_mem>>)
      %add3A_220 = arith.constant 2 : i32
      %add3A_221 = arith.addi %mul3A_168, %add3A_220 : i32
      %mul3A_222 = arith.constant 32 : i32
      %mul3A_223 = arith.muli %add3A_221, %mul3A_222 : i32
      %dma_wait3A_224 = tpu.memref_slice %arg5[%mul3A_223] : memref<1024xi32, #tpu.memory_space<vmem>> -> memref<32xi32, #tpu.memory_space<vmem>>
      %dma_wait3A_225 = arith.constant 0 : i32
      %dma_wait3A_226 = arith.constant 0 : i32
      %dma_wait3A_227 = tpu.memref_slice %arg3[%dma_wait3A_225, %dma_wait3A_226] : memref<65024x1024xf32, #tpu.memory_space<hbm>> -> memref<65024x1024xf32, #tpu.memory_space<hbm>>
      tpu.wait_indirect_dma semaphore(%arg11 : memref<!tpu.dma_semaphore, #tpu.memory_space<semaphore_mem>>) src(%dma_wait3A_227 : memref<65024x1024xf32, #tpu.memory_space<hbm>>) dst(%arg8 : memref<32x1024xf32, #tpu.memory_space<vmem>>)
      %add3A_228 = arith.constant 2 : i32
      %add3A_229 = arith.addi %mul3A_168, %add3A_228 : i32
      %mul3A_230 = arith.constant 32 : i32
      %mul3A_231 = arith.muli %add3A_229, %mul3A_230 : i32
      %add3A_232 = arith.addi %mul3A_32, %mul3A_231 : i32
      %dma_start3A_233 = arith.constant 0 : i32
      %dma_start3A_234 = tpu.memref_slice %arg4[%select_n3A, %add3A_232, %dma_start3A_233] : memref<4x8192x1024xf32, #tpu.memory_space<hbm>> -> memref<1x32x1024xf32, #tpu.memory_space<hbm>>
      %dma_start3A_235 = tpu.memref_squeeze %dma_start3A_234 : memref<1x32x1024xf32, #tpu.memory_space<hbm>> -> memref<32x1024xf32, #tpu.memory_space<hbm>>
      %dma_start3A_236 = arith.constant 0 : i32
      %dma_start3A_237 = tpu.memref_slice %arg4[%select_n3A, %add3A_232, %dma_start3A_236] : memref<4x8192x1024xf32, #tpu.memory_space<hbm>> -> memref<1x32x1024xf32, #tpu.memory_space<hbm>>
      %dma_start3A_238 = tpu.memref_squeeze %dma_start3A_237 : memref<1x32x1024xf32, #tpu.memory_space<hbm>> -> memref<32x1024xf32, #tpu.memory_space<hbm>>
      tpu.enqueue_dma source(%arg8 : memref<32x1024xf32, #tpu.memory_space<vmem>>) target(%dma_start3A_238 : memref<32x1024xf32, #tpu.memory_space<hbm>>) target_semaphore(%arg14 : memref<!tpu.dma_semaphore, #tpu.memory_space<semaphore_mem>>)
      %add3A_239 = arith.constant 1 : i32
      %add3A_240 = arith.addi %mul3A_168, %add3A_239 : i32
      %mul3A_241 = arith.constant 32 : i32
      %mul3A_242 = arith.muli %add3A_240, %mul3A_241 : i32
      %add3A_243 = arith.addi %mul3A_32, %mul3A_242 : i32
      %dma_wait3A_244 = arith.constant 0 : i32
      %dma_wait3A_245 = tpu.memref_slice %arg4[%select_n3A, %add3A_243, %dma_wait3A_244] : memref<4x8192x1024xf32, #tpu.memory_space<hbm>> -> memref<1x32x1024xf32, #tpu.memory_space<hbm>>
      %dma_wait3A_246 = tpu.memref_squeeze %dma_wait3A_245 : memref<1x32x1024xf32, #tpu.memory_space<hbm>> -> memref<32x1024xf32, #tpu.memory_space<hbm>>
      %dma_wait3A_247 = arith.constant 0 : i32
      %dma_wait3A_248 = tpu.memref_slice %arg4[%select_n3A, %add3A_243, %dma_wait3A_247] : memref<4x8192x1024xf32, #tpu.memory_space<hbm>> -> memref<1x32x1024xf32, #tpu.memory_space<hbm>>
      %dma_wait3A_249 = tpu.memref_squeeze %dma_wait3A_248 : memref<1x32x1024xf32, #tpu.memory_space<hbm>> -> memref<32x1024xf32, #tpu.memory_space<hbm>>
      tpu.wait_dma2 semaphore(%arg13 : memref<!tpu.dma_semaphore, #tpu.memory_space<semaphore_mem>>) src(%arg7 : memref<32x1024xf32, #tpu.memory_space<vmem>>) dst(%dma_wait3A_249 : memref<32x1024xf32, #tpu.memory_space<hbm>>)
      %add3A_250 = arith.constant 4 : i32
      %add3A_251 = arith.addi %mul3A_168, %add3A_250 : i32
      %mul3A_252 = arith.constant 32 : i32
      %mul3A_253 = arith.muli %add3A_251, %mul3A_252 : i32
      %dma_start3A_254 = tpu.memref_slice %arg5[%mul3A_253] : memref<1024xi32, #tpu.memory_space<vmem>> -> memref<32xi32, #tpu.memory_space<vmem>>
      %dma_start3A_255 = arith.constant 0 : i32
      %dma_start3A_256 = arith.constant 0 : i32
      %dma_start3A_257 = tpu.memref_slice %arg3[%dma_start3A_255, %dma_start3A_256] : memref<65024x1024xf32, #tpu.memory_space<hbm>> -> memref<65024x1024xf32, #tpu.memory_space<hbm>>
      tpu.enqueue_indirect_dma source(%dma_start3A_257 : memref<65024x1024xf32, #tpu.memory_space<hbm>>) target(%arg7 : memref<32x1024xf32, #tpu.memory_space<vmem>>) offsets(%dma_start3A_254 : memref<32xi32, #tpu.memory_space<vmem>>) semaphore(%arg10 : memref<!tpu.dma_semaphore, #tpu.memory_space<semaphore_mem>>)
      %add3A_258 = arith.constant 2 : i32
      %add3A_259 = arith.addi %mul3A_168, %add3A_258 : i32
      %mul3A_260 = arith.constant 32 : i32
      %mul3A_261 = arith.muli %add3A_259, %mul3A_260 : i32
      %add3A_262 = arith.addi %mul3A_32, %mul3A_261 : i32
      %dma_wait3A_263 = arith.constant 0 : i32
      %dma_wait3A_264 = tpu.memref_slice %arg4[%select_n3A, %add3A_262, %dma_wait3A_263] : memref<4x8192x1024xf32, #tpu.memory_space<hbm>> -> memref<1x32x1024xf32, #tpu.memory_space<hbm>>
      %dma_wait3A_265 = tpu.memref_squeeze %dma_wait3A_264 : memref<1x32x1024xf32, #tpu.memory_space<hbm>> -> memref<32x1024xf32, #tpu.memory_space<hbm>>
      %dma_wait3A_266 = arith.constant 0 : i32
      %dma_wait3A_267 = tpu.memref_slice %arg4[%select_n3A, %add3A_262, %dma_wait3A_266] : memref<4x8192x1024xf32, #tpu.memory_space<hbm>> -> memref<1x32x1024xf32, #tpu.memory_space<hbm>>
      %dma_wait3A_268 = tpu.memref_squeeze %dma_wait3A_267 : memref<1x32x1024xf32, #tpu.memory_space<hbm>> -> memref<32x1024xf32, #tpu.memory_space<hbm>>
      tpu.wait_dma2 semaphore(%arg14 : memref<!tpu.dma_semaphore, #tpu.memory_space<semaphore_mem>>) src(%arg8 : memref<32x1024xf32, #tpu.memory_space<vmem>>) dst(%dma_wait3A_268 : memref<32x1024xf32, #tpu.memory_space<hbm>>)
      %add3A_269 = arith.constant 5 : i32
      %add3A_270 = arith.addi %mul3A_168, %add3A_269 : i32
      %mul3A_271 = arith.constant 32 : i32
      %mul3A_272 = arith.muli %add3A_270, %mul3A_271 : i32
      %dma_start3A_273 = tpu.memref_slice %arg5[%mul3A_272] : memref<1024xi32, #tpu.memory_space<vmem>> -> memref<32xi32, #tpu.memory_space<vmem>>
      %dma_start3A_274 = arith.constant 0 : i32
      %dma_start3A_275 = arith.constant 0 : i32
      %dma_start3A_276 = tpu.memref_slice %arg3[%dma_start3A_274, %dma_start3A_275] : memref<65024x1024xf32, #tpu.memory_space<hbm>> -> memref<65024x1024xf32, #tpu.memory_space<hbm>>
      tpu.enqueue_indirect_dma source(%dma_start3A_276 : memref<65024x1024xf32, #tpu.memory_space<hbm>>) target(%arg8 : memref<32x1024xf32, #tpu.memory_space<vmem>>) offsets(%dma_start3A_273 : memref<32xi32, #tpu.memory_space<vmem>>) semaphore(%arg11 : memref<!tpu.dma_semaphore, #tpu.memory_space<semaphore_mem>>)
    }
    %scan3A_51 = arith.constant 9 : i32
    %dma_wait3A = arith.constant 864 : i32
    %dma_wait3A_52 = tpu.memref_slice %arg5[%dma_wait3A] : memref<1024xi32, #tpu.memory_space<vmem>> -> memref<32xi32, #tpu.memory_space<vmem>>
    %dma_wait3A_53 = arith.constant 0 : i32
    %dma_wait3A_54 = arith.constant 0 : i32
    %dma_wait3A_55 = tpu.memref_slice %arg3[%dma_wait3A_53, %dma_wait3A_54] : memref<65024x1024xf32, #tpu.memory_space<hbm>> -> memref<65024x1024xf32, #tpu.memory_space<hbm>>
    tpu.wait_indirect_dma semaphore(%arg9 : memref<!tpu.dma_semaphore, #tpu.memory_space<semaphore_mem>>) src(%dma_wait3A_55 : memref<65024x1024xf32, #tpu.memory_space<hbm>>) dst(%arg6 : memref<32x1024xf32, #tpu.memory_space<vmem>>)
    %add3A_56 = arith.constant 864 : i32
    %add3A_57 = arith.addi %mul3A_32, %add3A_56 : i32
    %dma_start3A_58 = arith.constant 0 : i32
    %dma_start3A_59 = tpu.memref_slice %arg4[%select_n3A, %add3A_57, %dma_start3A_58] : memref<4x8192x1024xf32, #tpu.memory_space<hbm>> -> memref<1x32x1024xf32, #tpu.memory_space<hbm>>
    %dma_start3A_60 = tpu.memref_squeeze %dma_start3A_59 : memref<1x32x1024xf32, #tpu.memory_space<hbm>> -> memref<32x1024xf32, #tpu.memory_space<hbm>>
    %dma_start3A_61 = arith.constant 0 : i32
    %dma_start3A_62 = tpu.memref_slice %arg4[%select_n3A, %add3A_57, %dma_start3A_61] : memref<4x8192x1024xf32, #tpu.memory_space<hbm>> -> memref<1x32x1024xf32, #tpu.memory_space<hbm>>
    %dma_start3A_63 = tpu.memref_squeeze %dma_start3A_62 : memref<1x32x1024xf32, #tpu.memory_space<hbm>> -> memref<32x1024xf32, #tpu.memory_space<hbm>>
    tpu.enqueue_dma source(%arg6 : memref<32x1024xf32, #tpu.memory_space<vmem>>) target(%dma_start3A_63 : memref<32x1024xf32, #tpu.memory_space<hbm>>) target_semaphore(%arg12 : memref<!tpu.dma_semaphore, #tpu.memory_space<semaphore_mem>>)
    %dma_wait3A_64 = arith.constant 896 : i32
    %dma_wait3A_65 = tpu.memref_slice %arg5[%dma_wait3A_64] : memref<1024xi32, #tpu.memory_space<vmem>> -> memref<32xi32, #tpu.memory_space<vmem>>
    %dma_wait3A_66 = arith.constant 0 : i32
    %dma_wait3A_67 = arith.constant 0 : i32
    %dma_wait3A_68 = tpu.memref_slice %arg3[%dma_wait3A_66, %dma_wait3A_67] : memref<65024x1024xf32, #tpu.memory_space<hbm>> -> memref<65024x1024xf32, #tpu.memory_space<hbm>>
    tpu.wait_indirect_dma semaphore(%arg10 : memref<!tpu.dma_semaphore, #tpu.memory_space<semaphore_mem>>) src(%dma_wait3A_68 : memref<65024x1024xf32, #tpu.memory_space<hbm>>) dst(%arg7 : memref<32x1024xf32, #tpu.memory_space<vmem>>)
    %add3A_69 = arith.constant 896 : i32
    %add3A_70 = arith.addi %mul3A_32, %add3A_69 : i32
    %dma_start3A_71 = arith.constant 0 : i32
    %dma_start3A_72 = tpu.memref_slice %arg4[%select_n3A, %add3A_70, %dma_start3A_71] : memref<4x8192x1024xf32, #tpu.memory_space<hbm>> -> memref<1x32x1024xf32, #tpu.memory_space<hbm>>
    %dma_start3A_73 = tpu.memref_squeeze %dma_start3A_72 : memref<1x32x1024xf32, #tpu.memory_space<hbm>> -> memref<32x1024xf32, #tpu.memory_space<hbm>>
    %dma_start3A_74 = arith.constant 0 : i32
    %dma_start3A_75 = tpu.memref_slice %arg4[%select_n3A, %add3A_70, %dma_start3A_74] : memref<4x8192x1024xf32, #tpu.memory_space<hbm>> -> memref<1x32x1024xf32, #tpu.memory_space<hbm>>
    %dma_start3A_76 = tpu.memref_squeeze %dma_start3A_75 : memref<1x32x1024xf32, #tpu.memory_space<hbm>> -> memref<32x1024xf32, #tpu.memory_space<hbm>>
    tpu.enqueue_dma source(%arg7 : memref<32x1024xf32, #tpu.memory_space<vmem>>) target(%dma_start3A_76 : memref<32x1024xf32, #tpu.memory_space<hbm>>) target_semaphore(%arg13 : memref<!tpu.dma_semaphore, #tpu.memory_space<semaphore_mem>>)
    %add3A_77 = arith.constant 864 : i32
    %add3A_78 = arith.addi %mul3A_32, %add3A_77 : i32
    %dma_wait3A_79 = arith.constant 0 : i32
    %dma_wait3A_80 = tpu.memref_slice %arg4[%select_n3A, %add3A_78, %dma_wait3A_79] : memref<4x8192x1024xf32, #tpu.memory_space<hbm>> -> memref<1x32x1024xf32, #tpu.memory_space<hbm>>
    %dma_wait3A_81 = tpu.memref_squeeze %dma_wait3A_80 : memref<1x32x1024xf32, #tpu.memory_space<hbm>> -> memref<32x1024xf32, #tpu.memory_space<hbm>>
    %dma_wait3A_82 = arith.constant 0 : i32
    %dma_wait3A_83 = tpu.memref_slice %arg4[%select_n3A, %add3A_78, %dma_wait3A_82] : memref<4x8192x1024xf32, #tpu.memory_space<hbm>> -> memref<1x32x1024xf32, #tpu.memory_space<hbm>>
    %dma_wait3A_84 = tpu.memref_squeeze %dma_wait3A_83 : memref<1x32x1024xf32, #tpu.memory_space<hbm>> -> memref<32x1024xf32, #tpu.memory_space<hbm>>
    tpu.wait_dma2 semaphore(%arg12 : memref<!tpu.dma_semaphore, #tpu.memory_space<semaphore_mem>>) src(%arg6 : memref<32x1024xf32, #tpu.memory_space<vmem>>) dst(%dma_wait3A_84 : memref<32x1024xf32, #tpu.memory_space<hbm>>)
    %dma_start3A_85 = arith.constant 960 : i32
    %dma_start3A_86 = tpu.memref_slice %arg5[%dma_start3A_85] : memref<1024xi32, #tpu.memory_space<vmem>> -> memref<32xi32, #tpu.memory_space<vmem>>
    %dma_start3A_87 = arith.constant 0 : i32
    %dma_start3A_88 = arith.constant 0 : i32
    %dma_start3A_89 = tpu.memref_slice %arg3[%dma_start3A_87, %dma_start3A_88] : memref<65024x1024xf32, #tpu.memory_space<hbm>> -> memref<65024x1024xf32, #tpu.memory_space<hbm>>
    tpu.enqueue_indirect_dma source(%dma_start3A_89 : memref<65024x1024xf32, #tpu.memory_space<hbm>>) target(%arg6 : memref<32x1024xf32, #tpu.memory_space<vmem>>) offsets(%dma_start3A_86 : memref<32xi32, #tpu.memory_space<vmem>>) semaphore(%arg9 : memref<!tpu.dma_semaphore, #tpu.memory_space<semaphore_mem>>)
    %dma_wait3A_90 = arith.constant 928 : i32
    %dma_wait3A_91 = tpu.memref_slice %arg5[%dma_wait3A_90] : memref<1024xi32, #tpu.memory_space<vmem>> -> memref<32xi32, #tpu.memory_space<vmem>>
    %dma_wait3A_92 = arith.constant 0 : i32
    %dma_wait3A_93 = arith.constant 0 : i32
    %dma_wait3A_94 = tpu.memref_slice %arg3[%dma_wait3A_92, %dma_wait3A_93] : memref<65024x1024xf32, #tpu.memory_space<hbm>> -> memref<65024x1024xf32, #tpu.memory_space<hbm>>
    tpu.wait_indirect_dma semaphore(%arg11 : memref<!tpu.dma_semaphore, #tpu.memory_space<semaphore_mem>>) src(%dma_wait3A_94 : memref<65024x1024xf32, #tpu.memory_space<hbm>>) dst(%arg8 : memref<32x1024xf32, #tpu.memory_space<vmem>>)
    %add3A_95 = arith.constant 928 : i32
    %add3A_96 = arith.addi %mul3A_32, %add3A_95 : i32
    %dma_start3A_97 = arith.constant 0 : i32
    %dma_start3A_98 = tpu.memref_slice %arg4[%select_n3A, %add3A_96, %dma_start3A_97] : memref<4x8192x1024xf32, #tpu.memory_space<hbm>> -> memref<1x32x1024xf32, #tpu.memory_space<hbm>>
    %dma_start3A_99 = tpu.memref_squeeze %dma_start3A_98 : memref<1x32x1024xf32, #tpu.memory_space<hbm>> -> memref<32x1024xf32, #tpu.memory_space<hbm>>
    %dma_start3A_100 = arith.constant 0 : i32
    %dma_start3A_101 = tpu.memref_slice %arg4[%select_n3A, %add3A_96, %dma_start3A_100] : memref<4x8192x1024xf32, #tpu.memory_space<hbm>> -> memref<1x32x1024xf32, #tpu.memory_space<hbm>>
    %dma_start3A_102 = tpu.memref_squeeze %dma_start3A_101 : memref<1x32x1024xf32, #tpu.memory_space<hbm>> -> memref<32x1024xf32, #tpu.memory_space<hbm>>
    tpu.enqueue_dma source(%arg8 : memref<32x1024xf32, #tpu.memory_space<vmem>>) target(%dma_start3A_102 : memref<32x1024xf32, #tpu.memory_space<hbm>>) target_semaphore(%arg14 : memref<!tpu.dma_semaphore, #tpu.memory_space<semaphore_mem>>)
    %add3A_103 = arith.constant 896 : i32
    %add3A_104 = arith.addi %mul3A_32, %add3A_103 : i32
    %dma_wait3A_105 = arith.constant 0 : i32
    %dma_wait3A_106 = tpu.memref_slice %arg4[%select_n3A, %add3A_104, %dma_wait3A_105] : memref<4x8192x1024xf32, #tpu.memory_space<hbm>> -> memref<1x32x1024xf32, #tpu.memory_space<hbm>>
    %dma_wait3A_107 = tpu.memref_squeeze %dma_wait3A_106 : memref<1x32x1024xf32, #tpu.memory_space<hbm>> -> memref<32x1024xf32, #tpu.memory_space<hbm>>
    %dma_wait3A_108 = arith.constant 0 : i32
    %dma_wait3A_109 = tpu.memref_slice %arg4[%select_n3A, %add3A_104, %dma_wait3A_108] : memref<4x8192x1024xf32, #tpu.memory_space<hbm>> -> memref<1x32x1024xf32, #tpu.memory_space<hbm>>
    %dma_wait3A_110 = tpu.memref_squeeze %dma_wait3A_109 : memref<1x32x1024xf32, #tpu.memory_space<hbm>> -> memref<32x1024xf32, #tpu.memory_space<hbm>>
    tpu.wait_dma2 semaphore(%arg13 : memref<!tpu.dma_semaphore, #tpu.memory_space<semaphore_mem>>) src(%arg7 : memref<32x1024xf32, #tpu.memory_space<vmem>>) dst(%dma_wait3A_110 : memref<32x1024xf32, #tpu.memory_space<hbm>>)
    %dma_start3A_111 = arith.constant 992 : i32
    %dma_start3A_112 = tpu.memref_slice %arg5[%dma_start3A_111] : memref<1024xi32, #tpu.memory_space<vmem>> -> memref<32xi32, #tpu.memory_space<vmem>>
    %dma_start3A_113 = arith.constant 0 : i32
    %dma_start3A_114 = arith.constant 0 : i32
    %dma_start3A_115 = tpu.memref_slice %arg3[%dma_start3A_113, %dma_start3A_114] : memref<65024x1024xf32, #tpu.memory_space<hbm>> -> memref<65024x1024xf32, #tpu.memory_space<hbm>>
    tpu.enqueue_indirect_dma source(%dma_start3A_115 : memref<65024x1024xf32, #tpu.memory_space<hbm>>) target(%arg7 : memref<32x1024xf32, #tpu.memory_space<vmem>>) offsets(%dma_start3A_112 : memref<32xi32, #tpu.memory_space<vmem>>) semaphore(%arg10 : memref<!tpu.dma_semaphore, #tpu.memory_space<semaphore_mem>>)
    %dma_wait3A_116 = arith.constant 960 : i32
    %dma_wait3A_117 = tpu.memref_slice %arg5[%dma_wait3A_116] : memref<1024xi32, #tpu.memory_space<vmem>> -> memref<32xi32, #tpu.memory_space<vmem>>
    %dma_wait3A_118 = arith.constant 0 : i32
    %dma_wait3A_119 = arith.constant 0 : i32
    %dma_wait3A_120 = tpu.memref_slice %arg3[%dma_wait3A_118, %dma_wait3A_119] : memref<65024x1024xf32, #tpu.memory_space<hbm>> -> memref<65024x1024xf32, #tpu.memory_space<hbm>>
    tpu.wait_indirect_dma semaphore(%arg9 : memref<!tpu.dma_semaphore, #tpu.memory_space<semaphore_mem>>) src(%dma_wait3A_120 : memref<65024x1024xf32, #tpu.memory_space<hbm>>) dst(%arg6 : memref<32x1024xf32, #tpu.memory_space<vmem>>)
    %add3A_121 = arith.constant 960 : i32
    %add3A_122 = arith.addi %mul3A_32, %add3A_121 : i32
    %dma_start3A_123 = arith.constant 0 : i32
    %dma_start3A_124 = tpu.memref_slice %arg4[%select_n3A, %add3A_122, %dma_start3A_123] : memref<4x8192x1024xf32, #tpu.memory_space<hbm>> -> memref<1x32x1024xf32, #tpu.memory_space<hbm>>
    %dma_start3A_125 = tpu.memref_squeeze %dma_start3A_124 : memref<1x32x1024xf32, #tpu.memory_space<hbm>> -> memref<32x1024xf32, #tpu.memory_space<hbm>>
    %dma_start3A_126 = arith.constant 0 : i32
    %dma_start3A_127 = tpu.memref_slice %arg4[%select_n3A, %add3A_122, %dma_start3A_126] : memref<4x8192x1024xf32, #tpu.memory_space<hbm>> -> memref<1x32x1024xf32, #tpu.memory_space<hbm>>
    %dma_start3A_128 = tpu.memref_squeeze %dma_start3A_127 : memref<1x32x1024xf32, #tpu.memory_space<hbm>> -> memref<32x1024xf32, #tpu.memory_space<hbm>>
    tpu.enqueue_dma source(%arg6 : memref<32x1024xf32, #tpu.memory_space<vmem>>) target(%dma_start3A_128 : memref<32x1024xf32, #tpu.memory_space<hbm>>) target_semaphore(%arg12 : memref<!tpu.dma_semaphore, #tpu.memory_space<semaphore_mem>>)
    %dma_wait3A_129 = arith.constant 992 : i32
    %dma_wait3A_130 = tpu.memref_slice %arg5[%dma_wait3A_129] : memref<1024xi32, #tpu.memory_space<vmem>> -> memref<32xi32, #tpu.memory_space<vmem>>
    %dma_wait3A_131 = arith.constant 0 : i32
    %dma_wait3A_132 = arith.constant 0 : i32
    %dma_wait3A_133 = tpu.memref_slice %arg3[%dma_wait3A_131, %dma_wait3A_132] : memref<65024x1024xf32, #tpu.memory_space<hbm>> -> memref<65024x1024xf32, #tpu.memory_space<hbm>>
    tpu.wait_indirect_dma semaphore(%arg10 : memref<!tpu.dma_semaphore, #tpu.memory_space<semaphore_mem>>) src(%dma_wait3A_133 : memref<65024x1024xf32, #tpu.memory_space<hbm>>) dst(%arg7 : memref<32x1024xf32, #tpu.memory_space<vmem>>)
    %add3A_134 = arith.constant 992 : i32
    %add3A_135 = arith.addi %mul3A_32, %add3A_134 : i32
    %dma_start3A_136 = arith.constant 0 : i32
    %dma_start3A_137 = tpu.memref_slice %arg4[%select_n3A, %add3A_135, %dma_start3A_136] : memref<4x8192x1024xf32, #tpu.memory_space<hbm>> -> memref<1x32x1024xf32, #tpu.memory_space<hbm>>
    %dma_start3A_138 = tpu.memref_squeeze %dma_start3A_137 : memref<1x32x1024xf32, #tpu.memory_space<hbm>> -> memref<32x1024xf32, #tpu.memory_space<hbm>>
    %dma_start3A_139 = arith.constant 0 : i32
    %dma_start3A_140 = tpu.memref_slice %arg4[%select_n3A, %add3A_135, %dma_start3A_139] : memref<4x8192x1024xf32, #tpu.memory_space<hbm>> -> memref<1x32x1024xf32, #tpu.memory_space<hbm>>
    %dma_start3A_141 = tpu.memref_squeeze %dma_start3A_140 : memref<1x32x1024xf32, #tpu.memory_space<hbm>> -> memref<32x1024xf32, #tpu.memory_space<hbm>>
    tpu.enqueue_dma source(%arg7 : memref<32x1024xf32, #tpu.memory_space<vmem>>) target(%dma_start3A_141 : memref<32x1024xf32, #tpu.memory_space<hbm>>) target_semaphore(%arg13 : memref<!tpu.dma_semaphore, #tpu.memory_space<semaphore_mem>>)
    %add3A_142 = arith.constant 928 : i32
    %add3A_143 = arith.addi %mul3A_32, %add3A_142 : i32
    %dma_wait3A_144 = arith.constant 0 : i32
    %dma_wait3A_145 = tpu.memref_slice %arg4[%select_n3A, %add3A_143, %dma_wait3A_144] : memref<4x8192x1024xf32, #tpu.memory_space<hbm>> -> memref<1x32x1024xf32, #tpu.memory_space<hbm>>
    %dma_wait3A_146 = tpu.memref_squeeze %dma_wait3A_145 : memref<1x32x1024xf32, #tpu.memory_space<hbm>> -> memref<32x1024xf32, #tpu.memory_space<hbm>>
    %dma_wait3A_147 = arith.constant 0 : i32
    %dma_wait3A_148 = tpu.memref_slice %arg4[%select_n3A, %add3A_143, %dma_wait3A_147] : memref<4x8192x1024xf32, #tpu.memory_space<hbm>> -> memref<1x32x1024xf32, #tpu.memory_space<hbm>>
    %dma_wait3A_149 = tpu.memref_squeeze %dma_wait3A_148 : memref<1x32x1024xf32, #tpu.memory_space<hbm>> -> memref<32x1024xf32, #tpu.memory_space<hbm>>
    tpu.wait_dma2 semaphore(%arg14 : memref<!tpu.dma_semaphore, #tpu.memory_space<semaphore_mem>>) src(%arg8 : memref<32x1024xf32, #tpu.memory_space<vmem>>) dst(%dma_wait3A_149 : memref<32x1024xf32, #tpu.memory_space<hbm>>)
    %add3A_150 = arith.constant 960 : i32
    %add3A_151 = arith.addi %mul3A_32, %add3A_150 : i32
    %dma_wait3A_152 = arith.constant 0 : i32
    %dma_wait3A_153 = tpu.memref_slice %arg4[%select_n3A, %add3A_151, %dma_wait3A_152] : memref<4x8192x1024xf32, #tpu.memory_space<hbm>> -> memref<1x32x1024xf32, #tpu.memory_space<hbm>>
    %dma_wait3A_154 = tpu.memref_squeeze %dma_wait3A_153 : memref<1x32x1024xf32, #tpu.memory_space<hbm>> -> memref<32x1024xf32, #tpu.memory_space<hbm>>
    %dma_wait3A_155 = arith.constant 0 : i32
    %dma_wait3A_156 = tpu.memref_slice %arg4[%select_n3A, %add3A_151, %dma_wait3A_155] : memref<4x8192x1024xf32, #tpu.memory_space<hbm>> -> memref<1x32x1024xf32, #tpu.memory_space<hbm>>
    %dma_wait3A_157 = tpu.memref_squeeze %dma_wait3A_156 : memref<1x32x1024xf32, #tpu.memory_space<hbm>> -> memref<32x1024xf32, #tpu.memory_space<hbm>>
    tpu.wait_dma2 semaphore(%arg12 : memref<!tpu.dma_semaphore, #tpu.memory_space<semaphore_mem>>) src(%arg6 : memref<32x1024xf32, #tpu.memory_space<vmem>>) dst(%dma_wait3A_157 : memref<32x1024xf32, #tpu.memory_space<hbm>>)
    %add3A_158 = arith.constant 992 : i32
    %add3A_159 = arith.addi %mul3A_32, %add3A_158 : i32
    %dma_wait3A_160 = arith.constant 0 : i32
    %dma_wait3A_161 = tpu.memref_slice %arg4[%select_n3A, %add3A_159, %dma_wait3A_160] : memref<4x8192x1024xf32, #tpu.memory_space<hbm>> -> memref<1x32x1024xf32, #tpu.memory_space<hbm>>
    %dma_wait3A_162 = tpu.memref_squeeze %dma_wait3A_161 : memref<1x32x1024xf32, #tpu.memory_space<hbm>> -> memref<32x1024xf32, #tpu.memory_space<hbm>>
    %dma_wait3A_163 = arith.constant 0 : i32
    %dma_wait3A_164 = tpu.memref_slice %arg4[%select_n3A, %add3A_159, %dma_wait3A_163] : memref<4x8192x1024xf32, #tpu.memory_space<hbm>> -> memref<1x32x1024xf32, #tpu.memory_space<hbm>>
    %dma_wait3A_165 = tpu.memref_squeeze %dma_wait3A_164 : memref<1x32x1024xf32, #tpu.memory_space<hbm>> -> memref<32x1024xf32, #tpu.memory_space<hbm>>
    tpu.wait_dma2 semaphore(%arg13 : memref<!tpu.dma_semaphore, #tpu.memory_space<semaphore_mem>>) src(%arg7 : memref<32x1024xf32, #tpu.memory_space<vmem>>) dst(%dma_wait3A_165 : memref<32x1024xf32, #tpu.memory_space<hbm>>)
    return
  }
}

</mosaic_0001>

<sc_bundles>
// kernel: _embed.3.cloned.1.call-start
scs
__scs_entry_jumppad:
0x0: {  	(pc) =	sbr.rel $0x88, $3  }
0x1: {  	(tag) =	ssettag $0x0;
	lr =	simm.s32 $0x1  }
0x2: {  	[smem:$0x3F9F] =	sst lr;
	_ =	strace $0xD0000000  }
0x3: {  	_ = 	snop  }
0x4: {  	_ = 	snop  }
0x5: {  	_ = 	snop  }
0x6: {  	_ = 	snop  }
0x7: {  	_ = 	snop  }
__scs_overlays_trampoline_lowered:
0x8: {  	[smem:$0x3FAE] =	sst s0  }
0x9: {  	[smem:$0x3FAF] =	sst s1  }
0xa: {  	[smem:$0x3FB0] =	sst s2  }
0xb: {  	[smem:$0x3FB1] =	sst s3  }
0xc: {  	[smem:$0x3FB2] =	sst s4  }
0xd: {  	[smem:$0x3FB3] =	sst s5  }
0xe: {  	[smem:$0x3FB4] =	sst s6  }
0xf: {  	[smem:$0x3FB5] =	sst s7  }
0x10: {  	[smem:$0x3FB6] =	sst s8  }
0x11: {  	[smem:$0x3FB7] =	sst s9;
	s0 =	simm.s32 @!p0 $0x0  }
0x12: {  	s1 =	sld [smem:$0x3F9D];
	s0 =	simm.s32 @p0 $0x1  }
0x13: {  	[smem:$0x3FB8] =	sst s0;
	s0 =	simm.s32 @!p1 $0x0  }
0x14: {  	s2 =	sld [smem:$0x3F9C];
	s0 =	simm.s32 @p1 $0x1  }
0x15: {  	[smem:$0x3FB9] =	sst s0;
	s0 =	simm.s32 @!p2 $0x0  }
0x16: {  	s3 =	sld [smem:$0x3FDB];
	s0 =	simm.s32 @p2 $0x1  }
0x17: {  	s4 =	simm.s32 $0x1BF5;
	[smem:$0x3FBB] =	sst s0  }
0x18: {  	s0 =	sld [smem:$0x3F9E];
	_ =	swait.ge [sflag:s4], $0x0  }
0x19: {  	s7 =	sld [smem:$0x3F9F]  }
0x1a: {  	s8 =	sadd.s32 $0xFFFFE003, lr  }
0x1b: {  	s9 =	sadd.s32 $0xFFFFFEF7, lr;
	s5 =	simm.s32 $0xFFFFFFFF;
	p2 =	slt.u32 s8, $0xFFFFF086  }
0x1c: {  	p1 =	slt.u32 s9, $0xF7A;
	s5 =	simm.s32 @!p2 $0x0  }
0x1d: {  	s5 =	simm.s32 @p1 $0x1;
	p0 =	seq.s32 s7, s2  }
0x1e: {  	s7 =	smul.u32 @!p0 $0xF7A, s2;
	p2 =	seq.s32 @!p0 s5, $0x0  }
0x1f: {  	s9 =	smul.u32 $0xF7A, s1;
	s8 =	simm.s32 @!p0 $0x1BF5;
	p2 =	por !p2, p0  }
0x20: {  	[sflag:s8] =	ssyncset.s32 @!p0 $0xFFFFF086;
	s6 =	sadd.s32 @!p0 s3, s7;
	s7 =	simm.s32 @!p0 $0x108  }
0x21: {  	s3 =	sadd.s32 s3, s9;
	s6 =	sadd.s32 @!p0 $0x88, s6;
	s7 =	simm.s32 @p2 $0x1082  }
0x22: {  	[simem:s7], [sflag:s8] =	dma.local @!p0 [hbm:s6], $0xF7A  }
0x23: {  	s9 =	sor.u32 $0xD0000000, s2;
	s6 =	simm.s32 $0x108;
	_ =	swait.ge @!p0 [sflag:s8], $0x0  }
0x24: {  	s3 =	sadd.s32 $0x88, s3;
	s6 =	simm.s32 @!p1 $0x1082;
	[sflag:s4] =	ssyncset.s32 $0xFFFFF086  }
0x25: {  	[simem:s6], [sflag:s4] =	dma.local [hbm:s3], $0xF7A  }
0x26: {  	[smem:$0x3F9F] =	sst s1;
	(tag) =	ssettag s2;
	_ =	strace s9  }
0x27: {  	s1 =	sld [smem:$0x3FAF]  }
0x28: {  	s2 =	sld [smem:$0x3FB0]  }
0x29: {  	s4 =	sld [smem:$0x3FB2]  }
0x2a: {  	p0 =	seq.s32 s5, $0x0;
	s5 =	sld [smem:$0x3FB3]  }
0x2b: {  	s6 =	sld [smem:$0x3FB4]  }
0x2c: {  	s7 =	sld [smem:$0x3FB5]  }
0x2d: {  	s3 =	simm.s32 $0x108;
	s8 =	sld [smem:$0x3FB6]  }
0x2e: {  	s3 =	simm.s32 @!p0 $0x1082;
	s9 =	sld [smem:$0x3FB7]  }
0x2f: {  	lr =	sadd.s32 s0, s3;
	s0 =	sld [smem:$0x3FAE]  }
0x30: {  	s3 =	sld [smem:$0x3FB1]  }
0x31: {  	[smem:$0x3FBA] =	sst s10  }
0x32: {  	s10 =	sld [smem:$0x3FB8];
	_ =	sdelay $0x3  }
0x33: {  	p0 =	seq.s32 s10, $0x1;
	s10 =	sld [smem:$0x3FBA];
	_ =	sdelay $0x3  }
0x34: {  	[smem:$0x3FBA] =	sst s10  }
0x35: {  	s10 =	sld [smem:$0x3FB9];
	_ =	sdelay $0x3  }
0x36: {  	p1 =	seq.s32 s10, $0x1;
	s10 =	sld [smem:$0x3FBA];
	_ =	sdelay $0x3  }
0x37: {  	[smem:$0x3FBA] =	sst s10  }
0x38: {  	s10 =	sld [smem:$0x3FBB]  }
0x39: {  	_ = 	snop;
	(pc) =	sbr.ind lr, $3  }
0x3a: {  	_ = 	snop  }
0x3b: {  	_ = 	snop  }
0x3c: {  	p2 =	seq.s32 s10, $0x1;
	s10 =	sld [smem:$0x3FBA]  }
0x3d: {  	_ =	shalt  }
0x3e: {  	_ =	shalt  }
0x3f: {  	_ =	shalt  }
0x40: {  	_ =	shalt  }
0x41: {  	_ =	shalt  }
0x42: {  	_ =	shalt  }
0x43: {  	_ =	shalt  }
0x44: {  	_ =	shalt  }
0x45: {  	_ =	shalt  }
0x46: {  	_ =	shalt  }
0x47: {  	_ =	shalt  }
0x48: {  	_ =	shalt  }
0x49: {  	_ =	shalt  }
0x4a: {  	_ =	shalt  }
0x4b: {  	_ =	shalt  }
0x4c: {  	_ =	shalt  }
0x4d: {  	_ =	shalt  }
0x4e: {  	_ =	shalt  }
0x4f: {  	_ =	shalt  }
0x50: {  	_ =	shalt  }
0x51: {  	_ =	shalt  }
0x52: {  	_ =	shalt  }
0x53: {  	_ =	shalt  }
0x54: {  	_ =	shalt  }
0x55: {  	_ =	shalt  }
0x56: {  	_ =	shalt  }
0x57: {  	_ =	shalt  }
0x58: {  	_ =	shalt  }
0x59: {  	_ =	shalt  }
0x5a: {  	_ =	shalt  }
0x5b: {  	_ =	shalt  }
0x5c: {  	_ =	shalt  }
0x5d: {  	_ =	shalt  }
0x5e: {  	_ =	shalt  }
0x5f: {  	_ =	shalt  }
0x60: {  	_ =	shalt  }
0x61: {  	_ =	shalt  }
0x62: {  	_ =	shalt  }
0x63: {  	_ =	shalt  }
0x64: {  	_ =	shalt  }
0x65: {  	_ =	shalt  }
0x66: {  	_ =	shalt  }
0x67: {  	_ =	shalt  }
0x68: {  	_ =	shalt  }
0x69: {  	_ =	shalt  }
0x6a: {  	_ =	shalt  }
0x6b: {  	_ =	shalt  }
0x6c: {  	_ =	shalt  }
0x6d: {  	_ =	shalt  }
0x6e: {  	_ =	shalt  }
0x6f: {  	_ =	shalt  }
0x70: {  	_ =	shalt  }
0x71: {  	_ =	shalt  }
0x72: {  	_ =	shalt  }
0x73: {  	_ =	shalt  }
0x74: {  	_ =	shalt  }
0x75: {  	_ =	shalt  }
0x76: {  	_ =	shalt  }
0x77: {  	_ =	shalt  }
0x78: {  	_ =	shalt  }
0x79: {  	_ =	shalt  }
0x7a: {  	_ =	shalt  }
0x7b: {  	_ =	shalt  }
0x7c: {  	_ =	shalt  }
0x7d: {  	_ =	shalt  }
0x7e: {  	_ =	shalt  }
0x7f: {  	_ =	shalt  }
0x80: {  	_ =	shalt  }
0x81: {  	_ =	shalt  }
0x82: {  	_ =	shalt  }
0x83: {  	_ =	shalt  }
0x84: {  	_ =	shalt  }
0x85: {  	_ =	shalt  }
0x86: {  	_ =	shalt  }
0x87: {  	_ =	shalt  }
.Lfunc_end0:
.L_simem_size_0:
called_computation_lowered:
.L_overlay_start_0:
0x88: {  	s2 =	sld [smem:$0x3FD9]  }
0x89: {  	s3 =	sld [smem:$0x3FFE];
	_ =	sdelay $0x1  }
0x8a: {  	s1 =	srdreg.scid  }
0x8b: {  	s0 =	sand.u32 $0x1, s1  }
0x8c: {  	s18 =	sshll.u32 s0, $0xA;
	s2 =	sadd.s32 s3, s2  }
0x8d: {  	s2 =	sadd.s32 s2, s18  }
0x8e: {  	[smem:$0x3FC6] =	sst s2  }
0x8f: {  	_ = 	snop  }
0x90: {  	s2 =	sld [smem:$0x3FC9]  }
0x91: {  	s19 =	sld [smem:$0x3FC8]  }
0x92: {  	s4 =	sld [smem:$0x3FD0];
	(tm) =	ssettm $0x1  }
0x93: {  	s5 =	sld [smem:$0x3FFB];
	_ =	sdelay $0x3  }
0x94: {  	_ =	strace s5  }
0x95: {  	s5 =	sld [smem:$0x3FFC];
	_ =	sdelay $0x3  }
0x96: {  	_ =	strace s5  }
0x97: {  	s5 =	sld [smem:$0x3FFD];
	_ =	sdelay $0x3  }
0x98: {  	_ =	strace s5  }
0x99: {  	_ =	strace $0x8FFFFFFF  }
0x9a: {  	s20 =	sld [smem:$0x3FDB];
	_ =	sdelay $0x1  }
0x9b: {  	s6 =	simm.s32 $_scs_section_size  }
0x9c: {  	s7 =	simm.s32 $_size__tile_overlayer_lowered;
	s8 =	simm.s32 $_tile_overlayer_lowered  }
0x9d: {  	s23 =	simm.s32 $0x1BFF;
	s22 =	sshll.u32 s8, $0x1;
	s5 =	sadd.s32 s6, s20  }
0x9e: {  	s9 =	simm.s32 $0x0;
	s21 =	sshll.u32 s7, $0x1;
	s7 =	sadd.s32 s22, s5  }
0x9f: {  	[timem:s9], [sflag:s23] =	dma.local [hbm:s7], s21  }
0xa0: {  	_ =	swait.ge [sflag:s23], s21  }
0xa1: {  	s6 =	ssub.s32 $0x0, s21;
	[sflag:s23] =	ssyncset.done $0x0  }
0xa2: {  	[sflag:s23] =	ssyncadd.s32 s6;
	_ =	sdelay $0x1  }
0xa3: {  	s24 =	simm.s32 $0x1B8B  }
0xa4: {  	_ =	swait.ge [sflag:s24], $0x1  }
0xa5: {  	[sflag:s24] =	ssyncset.done $0x0  }
0xa6: {  	s25 =	simm.s32 $0x1B8E;
	[sflag:s24] =	ssyncadd.s32 $0xFFFFFFFF  }
0xa7: {  	s26 =	simm.s32 $execute0_lowered;
	[smem:$0x3FD2] =	sst s25  }
0xa8: {  	s6 =	sshll.u32 s26, $0x1;
	_ =	strace $0x80000046;
	[dreg:$0x1] =	wrdreg $0xFFFFFFFF  }
0xa9: {  	s28 =	simm.s32 $_size_execute0_lowered;
	s5 =	sadd.s32 s5, s6;
	[dreg:$0x0] =	wrdreg $0x0  }
0xaa: {  	s6 =	sshll.u32 s28, $0x1;
	[dreg:$0x2] =	wrdreg s5  }
0xab: {  	[dreg:$0x3] =	wrdreg s6  }
0xac: {  	[dreg:$0x4] =	wrdreg $0xC0  }
0xad: {  	_ =	task [dreg:s9], $0x5FFFF  }
0xae: {  	[dreg:$0x1] =	wrdreg $0xFFFFFFFF  }
0xaf: {  	[dreg:$0x0] =	wrdreg $0x60  }
0xb0: {  	[dreg:$0x2] =	wrdreg s2  }
0xb1: {  	[dreg:$0x3] =	wrdreg s19  }
0xb2: {  	[dreg:$0x4] =	wrdreg s4  }
0xb3: {  	[dreg:$0x5] =	wrdreg $0x9  }
0xb4: {  	_ =	task.clear_ibuf [dreg:s9], $0x6FFFF;
	_ =	strace $0x90000046  }
0xb5: {  	s29 =	simm.s32 $0x9;
	_ =	strace $0x80000048  }
0xb6: {  	_ =	swait.ge [sflag:s29], $0x1  }
0xb7: {  	[sflag:s29] =	ssyncadd.s32 $0xFFFFFFFF  }
0xb8: {  	_ =	strace $0x90000048  }
0xb9: {  	_ =	sfence  }
0xba: {  	s30 =	sld [smem:$0x0];
	_ =	sdelay $0x2  }
0xbb: {  	s31 =	sshll.u32 s1, $0xD;
	s1 =	sshrl.u32 s1, $0x2  }
0xbc: {  	s3 =	sand.u32 $0x4000, s31;
	s1 =	sadd.s32 s1, s30  }
0xbd: {  	s0 =	sor.u32 s3, s0;
	s1 =	sshll.u32 s1, $0x11  }
0xbe: {  	s0 =	sor.u32 s1, s0  }
0xbf: {  	s0 =	sadd.s32 $0x8F2B, s0  }
0xc0: {  	[sflag:s0] =	ssyncadd.remote.s32 $0x1  }
0xc1: {  	_ =	sfence.sel $0xFFFF  }
0xc2: {  	[dreg:$0x0] =	wrdreg $0xFFFFFFFF;
	(pc) =	sbr.abs _section_cstart, $3  }
0xc3: {  	[dreg:$0x1] =	wrdreg $0xFFFFFFFF  }
0xc4: {  	_ =	task.clear_ibuf [dreg:s9], $0x2FFFF;
	_ =	strace $0x9FFFFFFF  }
0xc5: {  	(tm) =	ssettm $0x7FFFFFFF  }
tec
execute0_lowered:
.L_overlay_start_1:
0x0: {  	(tag) =	ssettag $0x1  }
0x1: {  	s0 =	rddreg [dreg:$0x0]  }
0x2: {  	s1 =	rddreg [dreg:$0x1]  }
0x3: {  	s2 =	rddreg [dreg:$0x2];
	s3 =	simm.s32 $0x0;
	s4 =	srdreg.scid  }
0x4: {  	s10 =	stileid.u32;
	s14 =	simm.s32 $0x10400;
	s28 =	simm.s32 $0x2  }
0x5: {  	s12 =	simm.s32 $0x4;
	s29 =	simm.s32 $0x3;
	s13 =	simm.s32 $0x5  }
0x6: {  	s30 =	simm.s32 $0x6;
	s15 =	simm.s32 $0x12C00;
	[smem:$0x7FF] =	sst s3  }
0x7: {  	s4 =	sand.u32 $0x1, s4;
	s5 =	sshll.u32 s10, $0x1;
	s8 =	sshrl.u32 s10, $0x2  }
0x8: {  	s10 =	sand.u32 $0x3, s10;
	_ =	strace $0x80000047;
	s6 =	ssub.s32 $0x2, s4  }
0x9: {  	s5 =	sand.u32 $0x6, s5;
	s17 =	sshll.u32 s8, $0x4;
	s8 =	sshll.u32 s8, $0x17  }
0xa: {  	s10 =	sshll.u32 s10, $0x15;
	s7 =	sshrl.u32 s6, $0x1;
	s5 =	sor.u32 s4, s5  }
0xb: {  	s0 =	sadd.s32 s0, s17;
	s4 =	sshll.u32 s4, $0x14;
	s17 =	simm.s32 $0x17C00  }
0xc: {  	s9 =	ssub.s32 s6, s7;
	s16 =	sshll.u32 s5, $0x9;
	s18 =	sshll.u32 s5, $0x14  }
0xd: {  	s5 =	sadd.s32 $0x100, s1;
	s6 =	sadd.s32 $0x200, s1;
	s7 =	sadd.s32 $0x300, s1  }
0xe: {  	s0 =	sadd.s32 s16, s0;
	s19 =	sor.u32 s8, s18;
	s8 =	sor.u32 s10, s8  }
0xf: {  	s31 =	smax.u32 s9, $0x1;
	s9 =	simm.s32 $0x15C00;
	[dreg:$0x7] =	wrdreg s0  }
0x10: {  	s0 =	sshrl.u32 s19, $0x3;
	s4 =	sor.u32 s4, s8;
	[dreg:$0xd] =	wrdreg s31  }
0x11: {  	s19 =	simm.s32 $0x11400;
	s0 =	sadd.s32 s0, s2;
	s23 =	sshrl.u32 s4, $0x3  }
0x12: {  	s24 =	sor.u32 $0x8000, s4;
	s4 =	sor.u32 $0x10000, s4;
	s11 =	sadd.s32 $0x1B000, s0  }
0x13: {  	s20 =	sadd.s32 $0x1C000, s0;
	s21 =	sadd.s32 $0x1D000, s0;
	[dreg:$0x8] =	wrdreg s11  }
0x14: {  	s22 =	sadd.s32 $0x1E000, s0;
	s8 =	sadd.s32 s23, s2;
	[dreg:$0x9] =	wrdreg s20  }
0x15: {  	s10 =	sshrl.u32 s24, $0x3;
	s4 =	sshrl.u32 s4, $0x3;
	[dreg:$0xa] =	wrdreg s21  }
0x16: {  	s0 =	sadd.s32 $0x1F000, s0;
	s23 =	simm.s32 $0x14C00;
	[dreg:$0xb] =	wrdreg s22  }
0x17: {  	s24 =	simm.s32 $0x8400;
	[dreg:$0x4] =	wrdreg s8;
	s25 =	sadd.s32 s10, s2  }
0x18: {  	[dreg:$0xc] =	wrdreg s0;
	s26 =	sadd.s32 s4, s2;
	s0 =	simm.s32 $0x400  }
0x19: {  	s2 =	simm.s32 $0x8400;
	s11 =	simm.s32 $0x1;
	s4 =	simm.s32 $0x0  }
0x1a: {  	v2 =	vlaneseq.u32;
	s20 =	simm.s32 $0x12400;
	s21 =	simm.s32 $0x13400;
	s22 =	simm.s32 $0x13C00  }
0x1b: {  	vm0 =	vmmov $0xffff;
	v1 =	vshrl.u32 v2, $0x3;
	s8 =	simm.s32 $0x15400;
	s10 =	simm.s32 $0x16C00;
	[dreg:$0x5] =	wrdreg s25  }
0x1c: {  	v0 =	vand.u32 $0x7, v2;
	v2 =	vor.u32 $0x8, v2;
	v1 =	vmul.u32 $0x8, v1;
	[dreg:$0x6] =	wrdreg s26;
	s25 =	simm.s32 $0x16400;
	s26 =	simm.s32 $0x17400  }
.LBB2_1:
0x1d: {  	s16 =	rddreg [dreg:$0x7];
	s18 =	simm.s32 $0x80;
	s31 =	simm.s32 $0x200  }
0x1e: {  	[tilespmem:s3], [sflag:$0x7] =	stream.strided.gather [hbm4b:s16+s18], $0x400, s31, s18, $0x38;
	[tilespmem:$0x18400] =	vst v63  }
0x1f: {  	[dreg:$0xe] =	wrdreg s4;
	s18 =	simm.s32 $0x7  }
0x20: {  	_ =	swait.ge [sflag:s18], $0x400  }
0x21: {  	[sflag:s18] =	ssyncset.done $0x0  }
0x22: {  	[sflag:s18] =	ssyncadd.s32 $0xFFFFFC00  }
0x23: {  	v3 =	vld [tilespmem:$0x0];
	_ =	sdelay $0x4  }
0x24: {  	v4 =	vshll.u32 v3, $0x3  }
0x25: {  	v3 =	vand.u32 $0x7, v3;
	v4 =	vand.u32 $0xFFFFFFC0, v4  }
0x26: {  	v3 =	vor.u32 v3, v4  }
0x27: {  	v4 =	vperm.xlane v3, v0;
	_ =	sdelay $0x1  }
0x28: {  	v4 =	vadd.s32 v1, v4;
	_ =	sdelay $0x4  }
0x29: {  	[tilespmem:s0], [sflag:$0x1] =	stream.indirect_vreg.gather [hbm4b:s1+s3], $0x80, v4, vm0, $0xb8;
	[tilespmem:$0x18400] =	vst v63  }
0x2a: {  	s4 =	simm.s32 $0xC00;
	v3 =	vperm.xlane v3, v2  }
0x2b: {  	[tilespmem:s4], [sflag:$0x1] =	stream.indirect_vreg.gather [hbm4b:s5+s3], $0x80, v4, vm0, $0xb8;
	[tilespmem:$0x18400] =	vst v63  }
0x2c: {  	s18 =	simm.s32 $0x1400;
	v3 =	vadd.s32 v1, v3  }
0x2d: {  	[tilespmem:s18], [sflag:$0x1] =	stream.indirect_vreg.gather [hbm4b:s6+s3], $0x80, v4, vm0, $0xb8;
	[tilespmem:$0x18400] =	vst v63  }
0x2e: {  	s0 =	simm.s32 $0x1C00  }
0x2f: {  	[tilespmem:s0], [sflag:$0x1] =	stream.indirect_vreg.gather [hbm4b:s7+s3], $0x80, v4, vm0, $0xb8;
	[tilespmem:$0x18400] =	vst v63  }
0x30: {  	s4 =	simm.s32 $0x2400  }
0x31: {  	[tilespmem:s4], [sflag:$0x1] =	stream.indirect_vreg.gather [hbm4b:s1+s3], $0x80, v3, vm0, $0xb8;
	[tilespmem:$0x18400] =	vst v63  }
0x32: {  	s18 =	simm.s32 $0x2C00  }
0x33: {  	[tilespmem:s18], [sflag:$0x1] =	stream.indirect_vreg.gather [hbm4b:s5+s3], $0x80, v3, vm0, $0xb8;
	[tilespmem:$0x18400] =	vst v63  }
0x34: {  	s0 =	simm.s32 $0x3400  }
0x35: {  	[tilespmem:s0], [sflag:$0x1] =	stream.indirect_vreg.gather [hbm4b:s6+s3], $0x80, v3, vm0, $0xb8;
	[tilespmem:$0x18400] =	vst v63  }
0x36: {  	s4 =	simm.s32 $0x3C00  }
0x37: {  	[tilespmem:s4], [sflag:$0x1] =	stream.indirect_vreg.gather [hbm4b:s7+s3], $0x80, v3, vm0, $0xb8;
	[tilespmem:$0x18400] =	vst v63  }
0x38: {  	v3 =	vld [tilespmem:$0x10];
	_ =	sdelay $0x4  }
0x39: {  	v59 =	vshll.u32 v3, $0x3  }
0x3a: {  	v3 =	vand.u32 $0x7, v3;
	v4 =	vand.u32 $0xFFFFFFC0, v59  }
0x3b: {  	v3 =	vor.u32 v3, v4  }
0x3c: {  	v4 =	vperm.xlane v3, v0;
	_ =	sdelay $0x1  }
0x3d: {  	v4 =	vadd.s32 v1, v4;
	_ =	sdelay $0x3  }
0x3e: {  	s18 =	simm.s32 $0x4400  }
0x3f: {  	[tilespmem:s18], [sflag:$0x1] =	stream.indirect_vreg.gather [hbm4b:s1+s3], $0x80, v4, vm0, $0xb8;
	[tilespmem:$0x18400] =	vst v63  }
0x40: {  	s0 =	simm.s32 $0x4C00;
	v3 =	vperm.xlane v3, v2  }
0x41: {  	[tilespmem:s0], [sflag:$0x1] =	stream.indirect_vreg.gather [hbm4b:s5+s3], $0x80, v4, vm0, $0xb8;
	[tilespmem:$0x18400] =	vst v63  }
0x42: {  	s4 =	simm.s32 $0x5400;
	v3 =	vadd.s32 v1, v3  }
0x43: {  	[tilespmem:s4], [sflag:$0x1] =	stream.indirect_vreg.gather [hbm4b:s6+s3], $0x80, v4, vm0, $0xb8;
	[tilespmem:$0x18400] =	vst v63  }
0x44: {  	s18 =	simm.s32 $0x5C00  }
0x45: {  	[tilespmem:s18], [sflag:$0x1] =	stream.indirect_vreg.gather [hbm4b:s7+s3], $0x80, v4, vm0, $0xb8;
	[tilespmem:$0x18400] =	vst v63  }
0x46: {  	s0 =	simm.s32 $0x6400  }
0x47: {  	[tilespmem:s0], [sflag:$0x1] =	stream.indirect_vreg.gather [hbm4b:s1+s3], $0x80, v3, vm0, $0xb8;
	[tilespmem:$0x18400] =	vst v63  }
0x48: {  	s4 =	simm.s32 $0x6C00  }
0x49: {  	[tilespmem:s4], [sflag:$0x1] =	stream.indirect_vreg.gather [hbm4b:s5+s3], $0x80, v3, vm0, $0xb8;
	[tilespmem:$0x18400] =	vst v63  }
0x4a: {  	s18 =	simm.s32 $0x7400  }
0x4b: {  	[tilespmem:s18], [sflag:$0x1] =	stream.indirect_vreg.gather [hbm4b:s6+s3], $0x80, v3, vm0, $0xb8;
	[tilespmem:$0x18400] =	vst v63  }
0x4c: {  	s0 =	simm.s32 $0x7C00  }
0x4d: {  	[tilespmem:s0], [sflag:$0x1] =	stream.indirect_vreg.gather [hbm4b:s7+s3], $0x80, v3, vm0, $0xb8;
	[tilespmem:$0x18400] =	vst v63  }
0x4e: {  	v3 =	vld [tilespmem:$0x20];
	_ =	sdelay $0x4  }
0x4f: {  	v60 =	vshll.u32 v3, $0x3  }
0x50: {  	v3 =	vand.u32 $0x7, v3;
	v4 =	vand.u32 $0xFFFFFFC0, v60  }
0x51: {  	v3 =	vor.u32 v3, v4  }
0x52: {  	v4 =	vperm.xlane v3, v0;
	_ =	sdelay $0x1  }
0x53: {  	v4 =	vadd.s32 v1, v4;
	_ =	sdelay $0x4  }
0x54: {  	[tilespmem:s2], [sflag:$0x2] =	stream.indirect_vreg.gather [hbm4b:s1+s3], $0x80, v4, vm0, $0xb8;
	[tilespmem:$0x18400] =	vst v63  }
0x55: {  	v3 =	vperm.xlane v3, v2;
	s2 =	simm.s32 $0x8C00  }
0x56: {  	[tilespmem:s2], [sflag:$0x2] =	stream.indirect_vreg.gather [hbm4b:s5+s3], $0x80, v4, vm0, $0xb8;
	[tilespmem:$0x18400] =	vst v63  }
0x57: {  	s4 =	simm.s32 $0x9400;
	v3 =	vadd.s32 v1, v3  }
0x58: {  	[tilespmem:s4], [sflag:$0x2] =	stream.indirect_vreg.gather [hbm4b:s6+s3], $0x80, v4, vm0, $0xb8;
	[tilespmem:$0x18400] =	vst v63  }
0x59: {  	s18 =	simm.s32 $0x9C00  }
0x5a: {  	[tilespmem:s18], [sflag:$0x2] =	stream.indirect_vreg.gather [hbm4b:s7+s3], $0x80, v4, vm0, $0xb8;
	[tilespmem:$0x18400] =	vst v63  }
0x5b: {  	s0 =	simm.s32 $0xA400  }
0x5c: {  	[tilespmem:s0], [sflag:$0x2] =	stream.indirect_vreg.gather [hbm4b:s1+s3], $0x80, v3, vm0, $0xb8;
	[tilespmem:$0x18400] =	vst v63  }
0x5d: {  	s2 =	simm.s32 $0xAC00  }
0x5e: {  	[tilespmem:s2], [sflag:$0x2] =	stream.indirect_vreg.gather [hbm4b:s5+s3], $0x80, v3, vm0, $0xb8;
	[tilespmem:$0x18400] =	vst v63  }
0x5f: {  	s4 =	simm.s32 $0xB400  }
0x60: {  	[tilespmem:s4], [sflag:$0x2] =	stream.indirect_vreg.gather [hbm4b:s6+s3], $0x80, v3, vm0, $0xb8;
	[tilespmem:$0x18400] =	vst v63  }
0x61: {  	s18 =	simm.s32 $0xBC00  }
0x62: {  	[tilespmem:s18], [sflag:$0x2] =	stream.indirect_vreg.gather [hbm4b:s7+s3], $0x80, v3, vm0, $0xb8;
	[tilespmem:$0x18400] =	vst v63  }
0x63: {  	v3 =	vld [tilespmem:$0x30];
	_ =	sdelay $0x4  }
0x64: {  	v61 =	vshll.u32 v3, $0x3  }
0x65: {  	v3 =	vand.u32 $0x7, v3;
	v4 =	vand.u32 $0xFFFFFFC0, v61  }
0x66: {  	v3 =	vor.u32 v3, v4  }
0x67: {  	v4 =	vperm.xlane v3, v0;
	_ =	sdelay $0x1  }
0x68: {  	v4 =	vadd.s32 v1, v4;
	_ =	sdelay $0x3  }
0x69: {  	s0 =	simm.s32 $0xC400  }
0x6a: {  	[tilespmem:s0], [sflag:$0x2] =	stream.indirect_vreg.gather [hbm4b:s1+s3], $0x80, v4, vm0, $0xb8;
	[tilespmem:$0x18400] =	vst v63  }
0x6b: {  	s2 =	simm.s32 $0xCC00;
	v3 =	vperm.xlane v3, v2  }
0x6c: {  	[tilespmem:s2], [sflag:$0x2] =	stream.indirect_vreg.gather [hbm4b:s5+s3], $0x80, v4, vm0, $0xb8;
	[tilespmem:$0x18400] =	vst v63  }
0x6d: {  	s4 =	simm.s32 $0xD400;
	v3 =	vadd.s32 v1, v3  }
0x6e: {  	[tilespmem:s4], [sflag:$0x2] =	stream.indirect_vreg.gather [hbm4b:s6+s3], $0x80, v4, vm0, $0xb8;
	[tilespmem:$0x18400] =	vst v63  }
0x6f: {  	s16 =	simm.s32 $0xDC00  }
0x70: {  	[tilespmem:s16], [sflag:$0x2] =	stream.indirect_vreg.gather [hbm4b:s7+s3], $0x80, v4, vm0, $0xb8;
	[tilespmem:$0x18400] =	vst v63  }
0x71: {  	s18 =	simm.s32 $0xE400  }
0x72: {  	[tilespmem:s18], [sflag:$0x2] =	stream.indirect_vreg.gather [hbm4b:s1+s3], $0x80, v3, vm0, $0xb8;
	[tilespmem:$0x18400] =	vst v63  }
0x73: {  	s2 =	simm.s32 $0xEC00  }
0x74: {  	[tilespmem:s2], [sflag:$0x2] =	stream.indirect_vreg.gather [hbm4b:s5+s3], $0x80, v3, vm0, $0xb8;
	[tilespmem:$0x18400] =	vst v63  }
0x75: {  	s4 =	simm.s32 $0xF400  }
0x76: {  	[tilespmem:s4], [sflag:$0x2] =	stream.indirect_vreg.gather [hbm4b:s6+s3], $0x80, v3, vm0, $0xb8;
	[tilespmem:$0x18400] =	vst v63  }
0x77: {  	s16 =	simm.s32 $0xFC00  }
0x78: {  	[tilespmem:s16], [sflag:$0x2] =	stream.indirect_vreg.gather [hbm4b:s7+s3], $0x80, v3, vm0, $0xb8;
	[tilespmem:$0x18400] =	vst v63  }
0x79: {  	v3 =	vld [tilespmem:$0x40];
	_ =	sdelay $0x4  }
0x7a: {  	v62 =	vshll.u32 v3, $0x3  }
0x7b: {  	v3 =	vand.u32 $0x7, v3;
	v4 =	vand.u32 $0xFFFFFFC0, v62  }
0x7c: {  	v3 =	vor.u32 v3, v4  }
0x7d: {  	v4 =	vperm.xlane v3, v0;
	_ =	sdelay $0x1  }
0x7e: {  	v4 =	vadd.s32 v1, v4;
	_ =	sdelay $0x4  }
0x7f: {  	[tilespmem:s14], [sflag:$0x3] =	stream.indirect_vreg.gather [hbm4b:s1+s3], $0x80, v4, vm0, $0xb8;
	[tilespmem:$0x18400] =	vst v63  }
0x80: {  	s18 =	simm.s32 $0x10C00;
	v3 =	vperm.xlane v3, v2  }
0x81: {  	[tilespmem:s18], [sflag:$0x3] =	stream.indirect_vreg.gather [hbm4b:s5+s3], $0x80, v4, vm0, $0xb8;
	[tilespmem:$0x18400] =	vst v63  }
0x82: {  	v3 =	vadd.s32 v1, v3  }
0x83: {  	[tilespmem:s19], [sflag:$0x3] =	stream.indirect_vreg.gather [hbm4b:s6+s3], $0x80, v4, vm0, $0xb8;
	[tilespmem:$0x18400] =	vst v63  }
0x84: {  	s2 =	simm.s32 $0x11C00  }
0x85: {  	[tilespmem:s2], [sflag:$0x3] =	stream.indirect_vreg.gather [hbm4b:s7+s3], $0x80, v4, vm0, $0xb8;
	[tilespmem:$0x18400] =	vst v63  }
0x86: {  	_ = 	snop  }
0x87: {  	[tilespmem:s20], [sflag:$0x3] =	stream.indirect_vreg.gather [hbm4b:s1+s3], $0x80, v3, vm0, $0xb8;
	[tilespmem:$0x18400] =	vst v63  }
0x88: {  	_ = 	snop  }
0x89: {  	[tilespmem:s15], [sflag:$0x3] =	stream.indirect_vreg.gather [hbm4b:s5+s3], $0x80, v3, vm0, $0xb8;
	[tilespmem:$0x18400] =	vst v63  }
0x8a: {  	_ = 	snop  }
0x8b: {  	[tilespmem:s21], [sflag:$0x3] =	stream.indirect_vreg.gather [hbm4b:s6+s3], $0x80, v3, vm0, $0xb8;
	[tilespmem:$0x18400] =	vst v63  }
0x8c: {  	_ = 	snop  }
0x8d: {  	[tilespmem:s22], [sflag:$0x3] =	stream.indirect_vreg.gather [hbm4b:s7+s3], $0x80, v3, vm0, $0xb8;
	[tilespmem:$0x18400] =	vst v63  }
0x8e: {  	v3 =	vld [tilespmem:$0x50];
	_ =	sdelay $0x4  }
0x8f: {  	v63 =	vshll.u32 v3, $0x3  }
0x90: {  	v3 =	vand.u32 $0x7, v3;
	v4 =	vand.u32 $0xFFFFFFC0, v63  }
0x91: {  	v3 =	vor.u32 v3, v4  }
0x92: {  	v4 =	vperm.xlane v3, v0;
	_ =	sdelay $0x1  }
0x93: {  	v4 =	vadd.s32 v1, v4;
	_ =	sdelay $0x3  }
0x94: {  	s4 =	simm.s32 $0x14400  }
0x95: {  	[tilespmem:s4], [sflag:$0x3] =	stream.indirect_vreg.gather [hbm4b:s1+s3], $0x80, v4, vm0, $0xb8;
	[tilespmem:$0x18400] =	vst v63  }
0x96: {  	v3 =	vperm.xlane v3, v2  }
0x97: {  	[tilespmem:s23], [sflag:$0x3] =	stream.indirect_vreg.gather [hbm4b:s5+s3], $0x80, v4, vm0, $0xb8;
	[tilespmem:$0x18400] =	vst v63  }
0x98: {  	v3 =	vadd.s32 v1, v3  }
0x99: {  	[tilespmem:s8], [sflag:$0x3] =	stream.indirect_vreg.gather [hbm4b:s6+s3], $0x80, v4, vm0, $0xb8;
	[tilespmem:$0x18400] =	vst v63  }
0x9a: {  	_ = 	snop  }
0x9b: {  	[tilespmem:s9], [sflag:$0x3] =	stream.indirect_vreg.gather [hbm4b:s7+s3], $0x80, v4, vm0, $0xb8;
	[tilespmem:$0x18400] =	vst v63  }
0x9c: {  	_ = 	snop  }
0x9d: {  	[tilespmem:s25], [sflag:$0x3] =	stream.indirect_vreg.gather [hbm4b:s1+s3], $0x80, v3, vm0, $0xb8;
	[tilespmem:$0x18400] =	vst v63  }
0x9e: {  	_ = 	snop  }
0x9f: {  	[tilespmem:s10], [sflag:$0x3] =	stream.indirect_vreg.gather [hbm4b:s5+s3], $0x80, v3, vm0, $0xb8;
	[tilespmem:$0x18400] =	vst v63  }
0xa0: {  	_ = 	snop  }
0xa1: {  	[tilespmem:s26], [sflag:$0x3] =	stream.indirect_vreg.gather [hbm4b:s6+s3], $0x80, v3, vm0, $0xb8;
	[tilespmem:$0x18400] =	vst v63  }
0xa2: {  	s31 =	simm.s32 $0x0;
	s16 =	simm.s32 $0xB0  }
0xa3: {  	[tilespmem:s17], [sflag:$0x3] =	stream.indirect_vreg.gather [hbm4b:s7+s3], $0x80, v3, vm0, $0xb8;
	[tilespmem:$0x18400] =	vst v63  }
.LBB2_2:
0xa4: {  	_ =	swait.ge [sflag:s11], $0x8000  }
0xa5: {  	s18 =	rddreg [dreg:$0x4];
	[sflag:s11] =	ssyncset.done $0x0  }
0xa6: {  	s14 =	simm.s32 $0x400;
	[sflag:s11] =	ssyncadd.s32 $0xFFFF8000;
	s18 =	sadd.s32 s31, s18  }
0xa7: {  	[hbm4b:s18+s3] =	stream.linear.scatter [tilespmem:s14], [sflag:$0x4], $0x8000, $0x38;
	[tilespmem:$0x18400] =	vst v63  }
0xa8: {  	_ =	swait.ge [sflag:s28], $0x8000  }
0xa9: {  	s0 =	rddreg [dreg:$0x5];
	[sflag:s28] =	ssyncset.done $0x0  }
0xaa: {  	[sflag:s28] =	ssyncadd.s32 $0xFFFF8000;
	s18 =	sadd.s32 s31, s0  }
0xab: {  	[hbm4b:s18+s3] =	stream.linear.scatter [tilespmem:s24], [sflag:$0x5], $0x8000, $0x38;
	[tilespmem:$0x18400] =	vst v63  }
0xac: {  	_ =	swait.ge [sflag:s12], $0x8000  }
0xad: {  	[sflag:s12] =	ssyncset.done $0x0  }
0xae: {  	[sflag:s12] =	ssyncadd.s32 $0xFFFF8000  }
0xaf: {  	v3 =	vld [tilespmem:s16+$0xFFFFFFB0];
	_ =	sdelay $0x4  }
0xb0: {  	v4 =	vshll.u32 v3, $0x3  }
0xb1: {  	v3 =	vand.u32 $0x7, v3;
	v4 =	vand.u32 $0xFFFFFFC0, v4  }
0xb2: {  	v3 =	vor.u32 v3, v4  }
0xb3: {  	v4 =	vperm.xlane v3, v0;
	_ =	sdelay $0x1  }
0xb4: {  	v4 =	vadd.s32 v1, v4;
	_ =	sdelay $0x4  }
0xb5: {  	[tilespmem:s14], [sflag:$0x1] =	stream.indirect_vreg.gather [hbm4b:s1+s3], $0x80, v4, vm0, $0xb8;
	[tilespmem:$0x18400] =	vst v63  }
0xb6: {  	v3 =	vperm.xlane v3, v2;
	s14 =	simm.s32 $0xC00  }
0xb7: {  	[tilespmem:s14], [sflag:$0x1] =	stream.indirect_vreg.gather [hbm4b:s5+s3], $0x80, v4, vm0, $0xb8;
	[tilespmem:$0x18400] =	vst v63  }
0xb8: {  	s0 =	simm.s32 $0x1400;
	v3 =	vadd.s32 v1, v3  }
0xb9: {  	[tilespmem:s0], [sflag:$0x1] =	stream.indirect_vreg.gather [hbm4b:s6+s3], $0x80, v4, vm0, $0xb8;
	[tilespmem:$0x18400] =	vst v63  }
0xba: {  	s14 =	simm.s32 $0x1C00  }
0xbb: {  	[tilespmem:s14], [sflag:$0x1] =	stream.indirect_vreg.gather [hbm4b:s7+s3], $0x80, v4, vm0, $0xb8;
	[tilespmem:$0x18400] =	vst v63  }
0xbc: {  	s0 =	simm.s32 $0x2400  }
0xbd: {  	[tilespmem:s0], [sflag:$0x1] =	stream.indirect_vreg.gather [hbm4b:s1+s3], $0x80, v3, vm0, $0xb8;
	[tilespmem:$0x18400] =	vst v63  }
0xbe: {  	s14 =	simm.s32 $0x2C00  }
0xbf: {  	[tilespmem:s14], [sflag:$0x1] =	stream.indirect_vreg.gather [hbm4b:s5+s3], $0x80, v3, vm0, $0xb8;
	[tilespmem:$0x18400] =	vst v63  }
0xc0: {  	s0 =	simm.s32 $0x3400  }
0xc1: {  	[tilespmem:s0], [sflag:$0x1] =	stream.indirect_vreg.gather [hbm4b:s6+s3], $0x80, v3, vm0, $0xb8;
	[tilespmem:$0x18400] =	vst v63  }
0xc2: {  	s14 =	simm.s32 $0x3C00  }
0xc3: {  	[tilespmem:s14], [sflag:$0x1] =	stream.indirect_vreg.gather [hbm4b:s7+s3], $0x80, v3, vm0, $0xb8;
	[tilespmem:$0x18400] =	vst v63  }
0xc4: {  	v3 =	vld [tilespmem:s16+$0xFFFFFFC0];
	_ =	sdelay $0x4  }
0xc5: {  	v59 =	vshll.u32 v3, $0x3  }
0xc6: {  	v3 =	vand.u32 $0x7, v3;
	v4 =	vand.u32 $0xFFFFFFC0, v59  }
0xc7: {  	v3 =	vor.u32 v3, v4  }
0xc8: {  	v4 =	vperm.xlane v3, v0;
	_ =	sdelay $0x1  }
0xc9: {  	v4 =	vadd.s32 v1, v4;
	_ =	sdelay $0x3  }
0xca: {  	s0 =	simm.s32 $0x4400  }
0xcb: {  	[tilespmem:s0], [sflag:$0x1] =	stream.indirect_vreg.gather [hbm4b:s1+s3], $0x80, v4, vm0, $0xb8;
	[tilespmem:$0x18400] =	vst v63  }
0xcc: {  	s14 =	simm.s32 $0x4C00;
	v3 =	vperm.xlane v3, v2  }
0xcd: {  	[tilespmem:s14], [sflag:$0x1] =	stream.indirect_vreg.gather [hbm4b:s5+s3], $0x80, v4, vm0, $0xb8;
	[tilespmem:$0x18400] =	vst v63  }
0xce: {  	v3 =	vadd.s32 v1, v3;
	s0 =	simm.s32 $0x5400  }
0xcf: {  	[tilespmem:s0], [sflag:$0x1] =	stream.indirect_vreg.gather [hbm4b:s6+s3], $0x80, v4, vm0, $0xb8;
	[tilespmem:$0x18400] =	vst v63  }
0xd0: {  	s14 =	simm.s32 $0x5C00  }
0xd1: {  	[tilespmem:s14], [sflag:$0x1] =	stream.indirect_vreg.gather [hbm4b:s7+s3], $0x80, v4, vm0, $0xb8;
	[tilespmem:$0x18400] =	vst v63  }
0xd2: {  	s0 =	simm.s32 $0x6400  }
0xd3: {  	[tilespmem:s0], [sflag:$0x1] =	stream.indirect_vreg.gather [hbm4b:s1+s3], $0x80, v3, vm0, $0xb8;
	[tilespmem:$0x18400] =	vst v63  }
0xd4: {  	s14 =	simm.s32 $0x6C00  }
0xd5: {  	[tilespmem:s14], [sflag:$0x1] =	stream.indirect_vreg.gather [hbm4b:s5+s3], $0x80, v3, vm0, $0xb8;
	[tilespmem:$0x18400] =	vst v63  }
0xd6: {  	s0 =	simm.s32 $0x7400  }
0xd7: {  	[tilespmem:s0], [sflag:$0x1] =	stream.indirect_vreg.gather [hbm4b:s6+s3], $0x80, v3, vm0, $0xb8;
	[tilespmem:$0x18400] =	vst v63  }
0xd8: {  	s14 =	simm.s32 $0x7C00  }
0xd9: {  	[tilespmem:s14], [sflag:$0x1] =	stream.indirect_vreg.gather [hbm4b:s7+s3], $0x80, v3, vm0, $0xb8;
	[tilespmem:$0x18400] =	vst v63  }
0xda: {  	_ =	swait.ge [sflag:s29], $0x8000  }
0xdb: {  	s0 =	rddreg [dreg:$0x6];
	[sflag:s29] =	ssyncset.done $0x0  }
0xdc: {  	[sflag:s29] =	ssyncadd.s32 $0xFFFF8000;
	s18 =	sadd.s32 s31, s0;
	s0 =	simm.s32 $0x10400  }
0xdd: {  	[hbm4b:s18+s3] =	stream.linear.scatter [tilespmem:s0], [sflag:$0x6], $0x8000, $0x38;
	[tilespmem:$0x18400] =	vst v63  }
0xde: {  	_ =	swait.ge [sflag:s13], $0x8000  }
0xdf: {  	[sflag:s13] =	ssyncset.done $0x0  }
0xe0: {  	[sflag:s13] =	ssyncadd.s32 $0xFFFF8000  }
0xe1: {  	v3 =	vld [tilespmem:s16+$0xFFFFFFD0];
	_ =	sdelay $0x4  }
0xe2: {  	v60 =	vshll.u32 v3, $0x3  }
0xe3: {  	v3 =	vand.u32 $0x7, v3;
	v4 =	vand.u32 $0xFFFFFFC0, v60  }
0xe4: {  	v3 =	vor.u32 v3, v4  }
0xe5: {  	v4 =	vperm.xlane v3, v0;
	_ =	sdelay $0x1  }
0xe6: {  	v4 =	vadd.s32 v1, v4;
	_ =	sdelay $0x4  }
0xe7: {  	[tilespmem:s24], [sflag:$0x2] =	stream.indirect_vreg.gather [hbm4b:s1+s3], $0x80, v4, vm0, $0xb8;
	[tilespmem:$0x18400] =	vst v63  }
0xe8: {  	s14 =	simm.s32 $0x8C00;
	v3 =	vperm.xlane v3, v2  }
0xe9: {  	[tilespmem:s14], [sflag:$0x2] =	stream.indirect_vreg.gather [hbm4b:s5+s3], $0x80, v4, vm0, $0xb8;
	[tilespmem:$0x18400] =	vst v63  }
0xea: {  	v3 =	vadd.s32 v1, v3;
	s14 =	simm.s32 $0x9400  }
0xeb: {  	[tilespmem:s14], [sflag:$0x2] =	stream.indirect_vreg.gather [hbm4b:s6+s3], $0x80, v4, vm0, $0xb8;
	[tilespmem:$0x18400] =	vst v63  }
0xec: {  	s14 =	simm.s32 $0x9C00  }
0xed: {  	[tilespmem:s14], [sflag:$0x2] =	stream.indirect_vreg.gather [hbm4b:s7+s3], $0x80, v4, vm0, $0xb8;
	[tilespmem:$0x18400] =	vst v63  }
0xee: {  	s14 =	simm.s32 $0xA400  }
0xef: {  	[tilespmem:s14], [sflag:$0x2] =	stream.indirect_vreg.gather [hbm4b:s1+s3], $0x80, v3, vm0, $0xb8;
	[tilespmem:$0x18400] =	vst v63  }
0xf0: {  	s14 =	simm.s32 $0xAC00  }
0xf1: {  	[tilespmem:s14], [sflag:$0x2] =	stream.indirect_vreg.gather [hbm4b:s5+s3], $0x80, v3, vm0, $0xb8;
	[tilespmem:$0x18400] =	vst v63  }
0xf2: {  	s14 =	simm.s32 $0xB400  }
0xf3: {  	[tilespmem:s14], [sflag:$0x2] =	stream.indirect_vreg.gather [hbm4b:s6+s3], $0x80, v3, vm0, $0xb8;
	[tilespmem:$0x18400] =	vst v63  }
0xf4: {  	s14 =	simm.s32 $0xBC00  }
0xf5: {  	[tilespmem:s14], [sflag:$0x2] =	stream.indirect_vreg.gather [hbm4b:s7+s3], $0x80, v3, vm0, $0xb8;
	[tilespmem:$0x18400] =	vst v63  }
0xf6: {  	v3 =	vld [tilespmem:s16+$0xFFFFFFE0];
	_ =	sdelay $0x4  }
0xf7: {  	v61 =	vshll.u32 v3, $0x3  }
0xf8: {  	v3 =	vand.u32 $0x7, v3;
	v4 =	vand.u32 $0xFFFFFFC0, v61  }
0xf9: {  	v3 =	vor.u32 v3, v4  }
0xfa: {  	v4 =	vperm.xlane v3, v0;
	_ =	sdelay $0x1  }
0xfb: {  	v4 =	vadd.s32 v1, v4;
	_ =	sdelay $0x3  }
0xfc: {  	s14 =	simm.s32 $0xC400  }
0xfd: {  	[tilespmem:s14], [sflag:$0x2] =	stream.indirect_vreg.gather [hbm4b:s1+s3], $0x80, v4, vm0, $0xb8;
	[tilespmem:$0x18400] =	vst v63  }
0xfe: {  	v3 =	vperm.xlane v3, v2;
	s14 =	simm.s32 $0xCC00  }
0xff: {  	[tilespmem:s14], [sflag:$0x2] =	stream.indirect_vreg.gather [hbm4b:s5+s3], $0x80, v4, vm0, $0xb8;
	[tilespmem:$0x18400] =	vst v63  }
0x100: {  	v3 =	vadd.s32 v1, v3;
	s14 =	simm.s32 $0xD400  }
0x101: {  	[tilespmem:s14], [sflag:$0x2] =	stream.indirect_vreg.gather [hbm4b:s6+s3], $0x80, v4, vm0, $0xb8;
	[tilespmem:$0x18400] =	vst v63  }
0x102: {  	s14 =	simm.s32 $0xDC00  }
0x103: {  	[tilespmem:s14], [sflag:$0x2] =	stream.indirect_vreg.gather [hbm4b:s7+s3], $0x80, v4, vm0, $0xb8;
	[tilespmem:$0x18400] =	vst v63  }
0x104: {  	s14 =	simm.s32 $0xE400  }
0x105: {  	[tilespmem:s14], [sflag:$0x2] =	stream.indirect_vreg.gather [hbm4b:s1+s3], $0x80, v3, vm0, $0xb8;
	[tilespmem:$0x18400] =	vst v63  }
0x106: {  	s14 =	simm.s32 $0xEC00  }
0x107: {  	[tilespmem:s14], [sflag:$0x2] =	stream.indirect_vreg.gather [hbm4b:s5+s3], $0x80, v3, vm0, $0xb8;
	[tilespmem:$0x18400] =	vst v63  }
0x108: {  	s14 =	simm.s32 $0xF400  }
0x109: {  	[tilespmem:s14], [sflag:$0x2] =	stream.indirect_vreg.gather [hbm4b:s6+s3], $0x80, v3, vm0, $0xb8;
	[tilespmem:$0x18400] =	vst v63  }
0x10a: {  	s14 =	simm.s32 $0xFC00  }
0x10b: {  	[tilespmem:s14], [sflag:$0x2] =	stream.indirect_vreg.gather [hbm4b:s7+s3], $0x80, v3, vm0, $0xb8;
	[tilespmem:$0x18400] =	vst v63  }
0x10c: {  	_ =	swait.ge [sflag:s30], $0x8000  }
0x10d: {  	[sflag:s30] =	ssyncset.done $0x0  }
0x10e: {  	[sflag:s30] =	ssyncadd.s32 $0xFFFF8000  }
0x10f: {  	v3 =	vld [tilespmem:s16+$0xFFFFFFF0];
	_ =	sdelay $0x4  }
0x110: {  	v62 =	vshll.u32 v3, $0x3  }
0x111: {  	v3 =	vand.u32 $0x7, v3;
	v4 =	vand.u32 $0xFFFFFFC0, v62  }
0x112: {  	v3 =	vor.u32 v3, v4  }
0x113: {  	v4 =	vperm.xlane v3, v0;
	_ =	sdelay $0x1  }
0x114: {  	v4 =	vadd.s32 v1, v4;
	_ =	sdelay $0x4  }
0x115: {  	[tilespmem:s0], [sflag:$0x3] =	stream.indirect_vreg.gather [hbm4b:s1+s3], $0x80, v4, vm0, $0xb8;
	[tilespmem:$0x18400] =	vst v63  }
0x116: {  	s18 =	simm.s32 $0x10C00;
	v3 =	vperm.xlane v3, v2  }
0x117: {  	[tilespmem:s18], [sflag:$0x3] =	stream.indirect_vreg.gather [hbm4b:s5+s3], $0x80, v4, vm0, $0xb8;
	[tilespmem:$0x18400] =	vst v63  }
0x118: {  	v3 =	vadd.s32 v1, v3  }
0x119: {  	[tilespmem:s19], [sflag:$0x3] =	stream.indirect_vreg.gather [hbm4b:s6+s3], $0x80, v4, vm0, $0xb8;
	[tilespmem:$0x18400] =	vst v63  }
0x11a: {  	_ = 	snop  }
0x11b: {  	[tilespmem:s2], [sflag:$0x3] =	stream.indirect_vreg.gather [hbm4b:s7+s3], $0x80, v4, vm0, $0xb8;
	[tilespmem:$0x18400] =	vst v63  }
0x11c: {  	_ = 	snop  }
0x11d: {  	[tilespmem:s20], [sflag:$0x3] =	stream.indirect_vreg.gather [hbm4b:s1+s3], $0x80, v3, vm0, $0xb8;
	[tilespmem:$0x18400] =	vst v63  }
0x11e: {  	_ = 	snop  }
0x11f: {  	[tilespmem:s15], [sflag:$0x3] =	stream.indirect_vreg.gather [hbm4b:s5+s3], $0x80, v3, vm0, $0xb8;
	[tilespmem:$0x18400] =	vst v63  }
0x120: {  	_ = 	snop  }
0x121: {  	[tilespmem:s21], [sflag:$0x3] =	stream.indirect_vreg.gather [hbm4b:s6+s3], $0x80, v3, vm0, $0xb8;
	[tilespmem:$0x18400] =	vst v63  }
0x122: {  	_ = 	snop  }
0x123: {  	[tilespmem:s22], [sflag:$0x3] =	stream.indirect_vreg.gather [hbm4b:s7+s3], $0x80, v3, vm0, $0xb8;
	[tilespmem:$0x18400] =	vst v63  }
0x124: {  	v3 =	vld [tilespmem:s16+$0x0];
	_ =	sdelay $0x4  }
0x125: {  	v63 =	vshll.u32 v3, $0x3  }
0x126: {  	v3 =	vand.u32 $0x7, v3;
	v4 =	vand.u32 $0xFFFFFFC0, v63  }
0x127: {  	v3 =	vor.u32 v3, v4  }
0x128: {  	v4 =	vperm.xlane v3, v0;
	_ =	sdelay $0x1  }
0x129: {  	v4 =	vadd.s32 v1, v4;
	_ =	sdelay $0x4  }
0x12a: {  	[tilespmem:s4], [sflag:$0x3] =	stream.indirect_vreg.gather [hbm4b:s1+s3], $0x80, v4, vm0, $0xb8;
	[tilespmem:$0x18400] =	vst v63  }
0x12b: {  	v3 =	vperm.xlane v3, v2  }
0x12c: {  	[tilespmem:s23], [sflag:$0x3] =	stream.indirect_vreg.gather [hbm4b:s5+s3], $0x80, v4, vm0, $0xb8;
	[tilespmem:$0x18400] =	vst v63  }
0x12d: {  	v3 =	vadd.s32 v1, v3  }
0x12e: {  	[tilespmem:s8], [sflag:$0x3] =	stream.indirect_vreg.gather [hbm4b:s6+s3], $0x80, v4, vm0, $0xb8;
	[tilespmem:$0x18400] =	vst v63  }
0x12f: {  	_ = 	snop  }
0x130: {  	[tilespmem:s9], [sflag:$0x3] =	stream.indirect_vreg.gather [hbm4b:s7+s3], $0x80, v4, vm0, $0xb8;
	[tilespmem:$0x18400] =	vst v63  }
0x131: {  	_ = 	snop  }
0x132: {  	[tilespmem:s25], [sflag:$0x3] =	stream.indirect_vreg.gather [hbm4b:s1+s3], $0x80, v3, vm0, $0xb8;
	[tilespmem:$0x18400] =	vst v63  }
0x133: {  	p0 =	sne.s32 s31, $0x18000  }
0x134: {  	[tilespmem:s10], [sflag:$0x3] =	stream.indirect_vreg.gather [hbm4b:s5+s3], $0x80, v3, vm0, $0xb8;
	[tilespmem:$0x18400] =	vst v63  }
.Ltmp0:
0x135: {  	_ = 	snop;
	(pc) =	sbr.rel @p0 .LBB2_2-.Ltmp0, $4  }
0x136: {  	_ = 	snop  }
0x137: {  	[tilespmem:s26], [sflag:$0x3] =	stream.indirect_vreg.gather [hbm4b:s6+s3], $0x80, v3, vm0, $0xb8;
	[tilespmem:$0x18400] =	vst v63  }
0x138: {  	s31 =	sadd.s32 $0x3000, s31;
	s14 =	simm.s32 $0x10400;
	s16 =	sadd.s32 $0x60, s16  }
0x139: {  	[tilespmem:s17], [sflag:$0x3] =	stream.indirect_vreg.gather [hbm4b:s7+s3], $0x80, v3, vm0, $0xb8;
	[tilespmem:$0x18400] =	vst v63  }
0x13a: {  	_ =	swait.ge [sflag:s11], $0x8000  }
0x13b: {  	[sflag:s11] =	ssyncset.done $0x0  }
0x13c: {  	s2 =	simm.s32 $0x400;
	s16 =	rddreg [dreg:$0x8];
	[sflag:s11] =	ssyncadd.s32 $0xFFFF8000  }
0x13d: {  	[hbm4b:s16+s3] =	stream.linear.scatter [tilespmem:s2], [sflag:$0x4], $0x8000, $0x38;
	[tilespmem:$0x18400] =	vst v63  }
0x13e: {  	_ =	swait.ge [sflag:s28], $0x8000  }
0x13f: {  	[sflag:s28] =	ssyncset.done $0x0  }
0x140: {  	s4 =	simm.s32 $0x8400;
	s18 =	rddreg [dreg:$0x9];
	[sflag:s28] =	ssyncadd.s32 $0xFFFF8000  }
0x141: {  	[hbm4b:s18+s3] =	stream.linear.scatter [tilespmem:s4], [sflag:$0x5], $0x8000, $0x38;
	[tilespmem:$0x18400] =	vst v63  }
0x142: {  	_ =	swait.ge [sflag:s12], $0x8000  }
0x143: {  	[sflag:s12] =	ssyncset.done $0x0  }
0x144: {  	[sflag:s12] =	ssyncadd.s32 $0xFFFF8000  }
0x145: {  	v3 =	vld [tilespmem:$0x3C0];
	_ =	sdelay $0x4  }
0x146: {  	v4 =	vshll.u32 v3, $0x3  }
0x147: {  	v3 =	vand.u32 $0x7, v3;
	v4 =	vand.u32 $0xFFFFFFC0, v4  }
0x148: {  	v3 =	vor.u32 v3, v4  }
0x149: {  	v4 =	vperm.xlane v3, v0;
	_ =	sdelay $0x1  }
0x14a: {  	v4 =	vadd.s32 v1, v4;
	_ =	sdelay $0x4  }
0x14b: {  	[tilespmem:s2], [sflag:$0x1] =	stream.indirect_vreg.gather [hbm4b:s1+s3], $0x80, v4, vm0, $0xb8;
	[tilespmem:$0x18400] =	vst v63  }
0x14c: {  	s31 =	simm.s32 $0xC00;
	v3 =	vperm.xlane v3, v2  }
0x14d: {  	[tilespmem:s31], [sflag:$0x1] =	stream.indirect_vreg.gather [hbm4b:s5+s3], $0x80, v4, vm0, $0xb8;
	[tilespmem:$0x18400] =	vst v63  }
0x14e: {  	s0 =	simm.s32 $0x1400;
	v3 =	vadd.s32 v1, v3  }
0x14f: {  	[tilespmem:s0], [sflag:$0x1] =	stream.indirect_vreg.gather [hbm4b:s6+s3], $0x80, v4, vm0, $0xb8;
	[tilespmem:$0x18400] =	vst v63  }
0x150: {  	s18 =	simm.s32 $0x1C00  }
0x151: {  	[tilespmem:s18], [sflag:$0x1] =	stream.indirect_vreg.gather [hbm4b:s7+s3], $0x80, v4, vm0, $0xb8;
	[tilespmem:$0x18400] =	vst v63  }
0x152: {  	s31 =	simm.s32 $0x2400  }
0x153: {  	[tilespmem:s31], [sflag:$0x1] =	stream.indirect_vreg.gather [hbm4b:s1+s3], $0x80, v3, vm0, $0xb8;
	[tilespmem:$0x18400] =	vst v63  }
0x154: {  	s0 =	simm.s32 $0x2C00  }
0x155: {  	[tilespmem:s0], [sflag:$0x1] =	stream.indirect_vreg.gather [hbm4b:s5+s3], $0x80, v3, vm0, $0xb8;
	[tilespmem:$0x18400] =	vst v63  }
0x156: {  	s18 =	simm.s32 $0x3400  }
0x157: {  	[tilespmem:s18], [sflag:$0x1] =	stream.indirect_vreg.gather [hbm4b:s6+s3], $0x80, v3, vm0, $0xb8;
	[tilespmem:$0x18400] =	vst v63  }
0x158: {  	s31 =	simm.s32 $0x3C00  }
0x159: {  	[tilespmem:s31], [sflag:$0x1] =	stream.indirect_vreg.gather [hbm4b:s7+s3], $0x80, v3, vm0, $0xb8;
	[tilespmem:$0x18400] =	vst v63  }
0x15a: {  	v3 =	vld [tilespmem:$0x3D0];
	_ =	sdelay $0x4  }
0x15b: {  	v61 =	vshll.u32 v3, $0x3  }
0x15c: {  	v3 =	vand.u32 $0x7, v3;
	v4 =	vand.u32 $0xFFFFFFC0, v61  }
0x15d: {  	v3 =	vor.u32 v3, v4  }
0x15e: {  	v4 =	vperm.xlane v3, v0;
	_ =	sdelay $0x1  }
0x15f: {  	v4 =	vadd.s32 v1, v4;
	_ =	sdelay $0x3  }
0x160: {  	s0 =	simm.s32 $0x4400  }
0x161: {  	[tilespmem:s0], [sflag:$0x1] =	stream.indirect_vreg.gather [hbm4b:s1+s3], $0x80, v4, vm0, $0xb8;
	[tilespmem:$0x18400] =	vst v63  }
0x162: {  	s18 =	simm.s32 $0x4C00;
	v3 =	vperm.xlane v3, v2  }
0x163: {  	[tilespmem:s18], [sflag:$0x1] =	stream.indirect_vreg.gather [hbm4b:s5+s3], $0x80, v4, vm0, $0xb8;
	[tilespmem:$0x18400] =	vst v63  }
0x164: {  	s31 =	simm.s32 $0x5400;
	v3 =	vadd.s32 v1, v3  }
0x165: {  	[tilespmem:s31], [sflag:$0x1] =	stream.indirect_vreg.gather [hbm4b:s6+s3], $0x80, v4, vm0, $0xb8;
	[tilespmem:$0x18400] =	vst v63  }
0x166: {  	s0 =	simm.s32 $0x5C00  }
0x167: {  	[tilespmem:s0], [sflag:$0x1] =	stream.indirect_vreg.gather [hbm4b:s7+s3], $0x80, v4, vm0, $0xb8;
	[tilespmem:$0x18400] =	vst v63  }
0x168: {  	s18 =	simm.s32 $0x6400  }
0x169: {  	[tilespmem:s18], [sflag:$0x1] =	stream.indirect_vreg.gather [hbm4b:s1+s3], $0x80, v3, vm0, $0xb8;
	[tilespmem:$0x18400] =	vst v63  }
0x16a: {  	s31 =	simm.s32 $0x6C00  }
0x16b: {  	[tilespmem:s31], [sflag:$0x1] =	stream.indirect_vreg.gather [hbm4b:s5+s3], $0x80, v3, vm0, $0xb8;
	[tilespmem:$0x18400] =	vst v63  }
0x16c: {  	s0 =	simm.s32 $0x7400  }
0x16d: {  	[tilespmem:s0], [sflag:$0x1] =	stream.indirect_vreg.gather [hbm4b:s6+s3], $0x80, v3, vm0, $0xb8;
	[tilespmem:$0x18400] =	vst v63  }
0x16e: {  	s18 =	simm.s32 $0x7C00  }
0x16f: {  	[tilespmem:s18], [sflag:$0x1] =	stream.indirect_vreg.gather [hbm4b:s7+s3], $0x80, v3, vm0, $0xb8;
	[tilespmem:$0x18400] =	vst v63  }
0x170: {  	_ =	swait.ge [sflag:s29], $0x8000  }
0x171: {  	[sflag:s29] =	ssyncset.done $0x0  }
0x172: {  	s31 =	rddreg [dreg:$0xa];
	[sflag:s29] =	ssyncadd.s32 $0xFFFF8000  }
0x173: {  	[hbm4b:s31+s3] =	stream.linear.scatter [tilespmem:s14], [sflag:$0x6], $0x8000, $0x38;
	[tilespmem:$0x18400] =	vst v63  }
0x174: {  	_ =	swait.ge [sflag:s13], $0x8000  }
0x175: {  	[sflag:s13] =	ssyncset.done $0x0  }
0x176: {  	[sflag:s13] =	ssyncadd.s32 $0xFFFF8000  }
0x177: {  	v3 =	vld [tilespmem:$0x3E0];
	_ =	sdelay $0x4  }
0x178: {  	v62 =	vshll.u32 v3, $0x3  }
0x179: {  	v3 =	vand.u32 $0x7, v3;
	v4 =	vand.u32 $0xFFFFFFC0, v62  }
0x17a: {  	v3 =	vor.u32 v3, v4  }
0x17b: {  	v4 =	vperm.xlane v3, v0;
	_ =	sdelay $0x1  }
0x17c: {  	v4 =	vadd.s32 v1, v4;
	_ =	sdelay $0x4  }
0x17d: {  	[tilespmem:s4], [sflag:$0x2] =	stream.indirect_vreg.gather [hbm4b:s1+s3], $0x80, v4, vm0, $0xb8;
	[tilespmem:$0x18400] =	vst v63  }
0x17e: {  	s0 =	simm.s32 $0x8C00;
	v3 =	vperm.xlane v3, v2  }
0x17f: {  	[tilespmem:s0], [sflag:$0x2] =	stream.indirect_vreg.gather [hbm4b:s5+s3], $0x80, v4, vm0, $0xb8;
	[tilespmem:$0x18400] =	vst v63  }
0x180: {  	s18 =	simm.s32 $0x9400;
	v3 =	vadd.s32 v1, v3  }
0x181: {  	[tilespmem:s18], [sflag:$0x2] =	stream.indirect_vreg.gather [hbm4b:s6+s3], $0x80, v4, vm0, $0xb8;
	[tilespmem:$0x18400] =	vst v63  }
0x182: {  	s31 =	simm.s32 $0x9C00  }
0x183: {  	[tilespmem:s31], [sflag:$0x2] =	stream.indirect_vreg.gather [hbm4b:s7+s3], $0x80, v4, vm0, $0xb8;
	[tilespmem:$0x18400] =	vst v63  }
0x184: {  	s0 =	simm.s32 $0xA400  }
0x185: {  	[tilespmem:s0], [sflag:$0x2] =	stream.indirect_vreg.gather [hbm4b:s1+s3], $0x80, v3, vm0, $0xb8;
	[tilespmem:$0x18400] =	vst v63  }
0x186: {  	s18 =	simm.s32 $0xAC00  }
0x187: {  	[tilespmem:s18], [sflag:$0x2] =	stream.indirect_vreg.gather [hbm4b:s5+s3], $0x80, v3, vm0, $0xb8;
	[tilespmem:$0x18400] =	vst v63  }
0x188: {  	s31 =	simm.s32 $0xB400  }
0x189: {  	[tilespmem:s31], [sflag:$0x2] =	stream.indirect_vreg.gather [hbm4b:s6+s3], $0x80, v3, vm0, $0xb8;
	[tilespmem:$0x18400] =	vst v63  }
0x18a: {  	s0 =	simm.s32 $0xBC00  }
0x18b: {  	[tilespmem:s0], [sflag:$0x2] =	stream.indirect_vreg.gather [hbm4b:s7+s3], $0x80, v3, vm0, $0xb8;
	[tilespmem:$0x18400] =	vst v63  }
0x18c: {  	v3 =	vld [tilespmem:$0x3F0];
	_ =	sdelay $0x4  }
0x18d: {  	v63 =	vshll.u32 v3, $0x3  }
0x18e: {  	v3 =	vand.u32 $0x7, v3;
	v4 =	vand.u32 $0xFFFFFFC0, v63  }
0x18f: {  	v3 =	vor.u32 v3, v4  }
0x190: {  	v4 =	vperm.xlane v3, v0;
	_ =	sdelay $0x1  }
0x191: {  	v4 =	vadd.s32 v1, v4;
	_ =	sdelay $0x3  }
0x192: {  	s18 =	simm.s32 $0xC400  }
0x193: {  	[tilespmem:s18], [sflag:$0x2] =	stream.indirect_vreg.gather [hbm4b:s1+s3], $0x80, v4, vm0, $0xb8;
	[tilespmem:$0x18400] =	vst v63  }
0x194: {  	s31 =	simm.s32 $0xCC00;
	v3 =	vperm.xlane v3, v2  }
0x195: {  	[tilespmem:s31], [sflag:$0x2] =	stream.indirect_vreg.gather [hbm4b:s5+s3], $0x80, v4, vm0, $0xb8;
	[tilespmem:$0x18400] =	vst v63  }
0x196: {  	s0 =	simm.s32 $0xD400;
	v3 =	vadd.s32 v1, v3  }
0x197: {  	[tilespmem:s0], [sflag:$0x2] =	stream.indirect_vreg.gather [hbm4b:s6+s3], $0x80, v4, vm0, $0xb8;
	[tilespmem:$0x18400] =	vst v63  }
0x198: {  	s0 =	simm.s32 $0xDC00  }
0x199: {  	[tilespmem:s0], [sflag:$0x2] =	stream.indirect_vreg.gather [hbm4b:s7+s3], $0x80, v4, vm0, $0xb8;
	[tilespmem:$0x18400] =	vst v63  }
0x19a: {  	s16 =	simm.s32 $0xE400  }
0x19b: {  	[tilespmem:s16], [sflag:$0x2] =	stream.indirect_vreg.gather [hbm4b:s1+s3], $0x80, v3, vm0, $0xb8;
	[tilespmem:$0x18400] =	vst v63  }
0x19c: {  	s18 =	simm.s32 $0xEC00  }
0x19d: {  	[tilespmem:s18], [sflag:$0x2] =	stream.indirect_vreg.gather [hbm4b:s5+s3], $0x80, v3, vm0, $0xb8;
	[tilespmem:$0x18400] =	vst v63  }
0x19e: {  	s31 =	simm.s32 $0xF400  }
0x19f: {  	[tilespmem:s31], [sflag:$0x2] =	stream.indirect_vreg.gather [hbm4b:s6+s3], $0x80, v3, vm0, $0xb8;
	[tilespmem:$0x18400] =	vst v63  }
0x1a0: {  	s16 =	simm.s32 $0xFC00  }
0x1a1: {  	[tilespmem:s16], [sflag:$0x2] =	stream.indirect_vreg.gather [hbm4b:s7+s3], $0x80, v3, vm0, $0xb8;
	[tilespmem:$0x18400] =	vst v63  }
0x1a2: {  	_ =	swait.ge [sflag:s11], $0x8000  }
0x1a3: {  	[sflag:s11] =	ssyncset.done $0x0  }
0x1a4: {  	s18 =	rddreg [dreg:$0xb];
	[sflag:s11] =	ssyncadd.s32 $0xFFFF8000  }
0x1a5: {  	[hbm4b:s18+s3] =	stream.linear.scatter [tilespmem:s2], [sflag:$0x4], $0x8000, $0x38;
	[tilespmem:$0x18400] =	vst v63  }
0x1a6: {  	_ =	swait.ge [sflag:s28], $0x8000  }
0x1a7: {  	[sflag:s28] =	ssyncset.done $0x0  }
0x1a8: {  	s31 =	rddreg [dreg:$0xc];
	[sflag:s28] =	ssyncadd.s32 $0xFFFF8000  }
0x1a9: {  	[hbm4b:s31+s3] =	stream.linear.scatter [tilespmem:s4], [sflag:$0x5], $0x8000, $0x38;
	[tilespmem:$0x18400] =	vst v63  }
0x1aa: {  	_ =	swait.ge [sflag:s30], $0x8000  }
0x1ab: {  	[sflag:s30] =	ssyncset.done $0x0  }
0x1ac: {  	[sflag:s30] =	ssyncadd.s32 $0xFFFF8000  }
0x1ad: {  	_ =	swait.ge [sflag:s12], $0x8000  }
0x1ae: {  	[sflag:s12] =	ssyncset.done $0x0  }
0x1af: {  	[sflag:s12] =	ssyncadd.s32 $0xFFFF8000  }
0x1b0: {  	_ =	swait.ge [sflag:s13], $0x8000  }
0x1b1: {  	s18 =	rddreg [dreg:$0xe]  }
0x1b2: {  	s31 =	rddreg [dreg:$0xd];
	s4 =	sadd.s32 $0x1, s18  }
0x1b3: {  	p0 =	sne.s32 s4, s31  }
.Ltmp1:
0x1b4: {  	_ = 	snop;
	(pc) =	sbr.rel @p0 .LBB2_1-.Ltmp1, $3  }
0x1b5: {  	_ =	sdelay $0x1  }
0x1b6: {  	[sflag:s13] =	ssyncset.done $0x0  }
0x1b7: {  	s0 =	simm.s32 $0x400;
	s2 =	simm.s32 $0x8400;
	[sflag:s13] =	ssyncadd.s32 $0xFFFF8000  }
0x1b8: {  	_ =	sfence.sel $0x180000  }
0x1b9: {  	[bflag:$0x0] =	sbarrier.arrive $0xFFFF  }
0x1ba: {  	_ =	strace $0x90000047  }
0x1bb: {  	s0 =	stileid.u32;
	[bflag:$0x2] =	sbarrier.arrive $0xFFFF  }
0x1bc: {  	p0 =	sne.s32 s0, $0x0;
	s0 =	rddreg [dreg:$0x3]  }
0x1bd: {  	s0 =	sadd.s32 @!p0 $0x100000, s0  }
0x1be: {  	[sflag:s0] =	ssyncadd.tile.s32 @!p0 $0x1;
	_ =	shalt  }
.Lfunc_end2:
_tile_overlayer_lowered:
.L_overlay_start_2:
0x1bf: {  	(tag) =	ssettag $0x2  }
0x1c0: {  	s0 =	rddreg [dreg:$0x0];
	s2 =	stileid.u32  }
0x1c1: {  	s1 =	rddreg [dreg:$0x1];
	p0 =	sne.s32 s2, $0x0  }
0x1c2: {  	s3 =	rddreg [dreg:$0x2];
	[bflag:$0x3] =	sbarrier.arrive $0xFFFF;
	s2 =	simm.s32 @!p0 $0x1C07  }
0x1c3: {  	[timem:s3], [sflag:s2] =	dma.local @!p0 [hbm:s0], s1  }
0x1c4: {  	s0 =	simm.s32 @!p0 $0x7  }
0x1c5: {  	_ =	swait.ge @!p0 [sflag:s0], s1  }
0x1c6: {  	s1 =	ssub.s32 @!p0 $0x0, s1;
	[sflag:s0] =	ssyncset.done @!p0 $0x0  }
0x1c7: {  	[sflag:s0] =	ssyncadd.s32 @!p0 s1  }
0x1c8: {  	[bflag:$0x3] =	sbarrier.arrive $0xFFFF  }
0x1c9: {  	_ =	shalt  }

</sc_bundles>
